<compile_context>
chip_gen: v7x
topology: tpu7x:2x2x1
jax: 0.10.2.dev20260603
libtpu: 0.0.44.dev20260713+nightly
codegen_flags: <defaults>
</compile_context>

<pallas_src>
import functools

import jax
import jax.numpy as jnp
from jax import lax
from jax.experimental import pallas as pl
from jax.experimental.pallas import tpu as pltpu
from jax.experimental.pallas import tpu_sc as plsc

F32 = jnp.float32
N_TOK = 1024 * 50
NW = 32
TW = N_TOK // NW
CH = 80
NCH = TW // CH

_OFF = {
    'test': (0, 21), 'tag': (21, 21), 'question': (42, 21), 'interaction': (63, 21),
    'duration': (84, 1), 'test_group_one': (85, 115), 'test_group_two': (200, 115),
    'serial': (315, 100), 'scalars_a': (415, 9), 'tag_group_one': (424, 50),
    'tag_group_two': (474, 50), 'time_for_solve': (524, 1), 'guess0': (525, 90),
    'day_of_week': (615, 16), 'scalars_b': (631, 25),
}

_HI = lax.Precision.HIGHEST


def _dgT(x, w):
    return lax.dot_general(x, w, (((1,), (1,)), ((), ())),
                           preferred_element_type=F32, precision=_HI)



def _prep_body(wt, wtag, wq, wtg, wser, wint, g0, g1, g2, g3, g4, g5, g6, g7,
               g8, wday, wc, pt0, pt1, pt2, pt3, pt4, pt5, pm):
    W = wc[...]
    pt0[...] = _dgT(wt[...], W[:, 0:21])
    pt1[...] = _dgT(wtag[...], W[:, 21:42])
    pt2[...] = _dgT(wq[...], W[:, 42:63])
    pt3[...] = _dgT(wtg[...], W[:, 85:200])
    pt4[...] = _dgT(wtg[...], W[:, 200:315])
    pt5[...] = _dgT(wser[...], W[:, 315:415])
    rows = [_dgT(wint[...], W[:, 63:84])]
    for t, g in enumerate((g0, g1, g2, g3, g4, g5, g6, g7, g8)):
        rows.append(_dgT(g[...], W[:, 525 + 10 * t:535 + 10 * t]))
    rows.append(_dgT(wday[...], W[:, 615:631]))
    pm[...] = jnp.concatenate(rows, axis=0)


def _prep(wt, wtag, wq, wtg, wser, wint, gs, wday, wc, interpret=False):
    out_shape = [
        jax.ShapeDtypeStruct((1539, 64), F32),
        jax.ShapeDtypeStruct((914, 64), F32),
        jax.ShapeDtypeStruct((9456, 64), F32),
        jax.ShapeDtypeStruct((1001, 64), F32),
        jax.ShapeDtypeStruct((1001, 64), F32),
        jax.ShapeDtypeStruct((1001, 64), F32),
        jax.ShapeDtypeStruct((37, 64), F32),
    ]
    return pl.pallas_call(_prep_body, out_shape=out_shape, interpret=interpret)(
        wt, wtag, wq, wtg, wser, wint, *gs, wday, wc)



_RB = 4096
_NBLK_RE = -(-913001 // _RB)


def _repack_body(t, out):
    out[...] = jnp.concatenate(
        [t[...], jnp.zeros((t.shape[0], 78), F32)], axis=1)


def _repack(t):
    return pl.pallas_call(
        _repack_body,
        grid=(_NBLK_RE,),
        in_specs=[pl.BlockSpec((_RB, 50), lambda i: (i, 0))],
        out_specs=pl.BlockSpec((_RB, 128), lambda i: (i, 0)),
        out_shape=jax.ShapeDtypeStruct((913001, 128), F32),
    )(t)



def _sc_body(pt0, pt1, pt2, pt3, pt4, pt5, wg1f, wg2f, idx3,
             acc_out, g1_out, g2_out,
             idxv, rb0, rb1, rb2, rb3, rb4, rb5, bb1, bb2, accv,
             s0, s1, s2, s3, s4, s5, s6, s7):
    wid = lax.axis_index("s") * 2 + lax.axis_index("c")

    def chunk_body(k, carry):
        cg = wid * NCH + k
        base = wid * TW + k * CH
        pltpu.sync_copy(idx3.at[cg], idxv)
        cps = [
            pltpu.async_copy(pt0.at[idxv.at[0]], rb0, s0),
            pltpu.async_copy(pt1.at[idxv.at[1]], rb1, s1),
            pltpu.async_copy(pt2.at[idxv.at[2]], rb2, s2),
            pltpu.async_copy(pt3.at[idxv.at[3]], rb3, s3),
            pltpu.async_copy(pt4.at[idxv.at[4]], rb4, s4),
            pltpu.async_copy(pt5.at[idxv.at[5]], rb5, s5),
        ]
        cps.append(pltpu.async_copy(wg1f.at[idxv.at[6]], bb1, s6))
        cps.append(pltpu.async_copy(wg2f.at[idxv.at[7]], bb2, s7))

        for cp in cps:
            cp.wait()

        def row_body(r, c2):
            for c in range(4):
                sl = pl.ds(c * 16, 16)
                accv[r, sl] = (rb0[r, sl] + rb1[r, sl] + rb2[r, sl]
                               + rb3[r, sl] + rb4[r, sl] + rb5[r, sl])
            return c2
        lax.fori_loop(0, CH, row_body, 0)

        pltpu.sync_copy(accv, acc_out.at[pl.ds(base, CH)])
        pltpu.sync_copy(bb1, g1_out.at[pl.ds(base, CH)])
        pltpu.sync_copy(bb2, g2_out.at[pl.ds(base, CH)])
        return carry

    lax.fori_loop(0, NCH, chunk_body, 0)


def _sc_gather(pts, wg1f, wg2f, idx3):
    mesh = plsc.VectorSubcoreMesh(core_axis_name="c", subcore_axis_name="s")
    out_type = [
        jax.ShapeDtypeStruct((N_TOK, 64), F32),
        jax.ShapeDtypeStruct((N_TOK, 128), F32),
        jax.ShapeDtypeStruct((N_TOK, 128), F32),
    ]
    scratch = [
        pltpu.VMEM((8, CH), jnp.int32),
        pltpu.VMEM((CH, 64), F32), pltpu.VMEM((CH, 64), F32),
        pltpu.VMEM((CH, 64), F32), pltpu.VMEM((CH, 64), F32),
        pltpu.VMEM((CH, 64), F32), pltpu.VMEM((CH, 64), F32),
        pltpu.VMEM((CH, 128), F32), pltpu.VMEM((CH, 128), F32),
        pltpu.VMEM((CH, 64), F32),
    ] + [pltpu.SemaphoreType.DMA] * 8
    run = pl.kernel(_sc_body, out_type=out_type, mesh=mesh,
                    scratch_types=scratch,
                    compiler_params=pltpu.CompilerParams(
                        use_tc_tiling_on_sc=False))
    return run(*pts, wg1f, wg2f, idx3)



_BLK = 2048
_BASES = tuple([0] + [3 + 3 * t for t in range(9)] + [30])


def _final_body(acc, win1, win2, s, idxm, wc, pm, bvec, out):
    W = wc[...]
    x = acc[...]
    x = x + _dgT(win1[...][:, 0:50], W[:, 424:474])
    x = x + _dgT(win2[...][:, 0:50], W[:, 474:524])
    wcs = jnp.concatenate([W[:, 84:85], W[:, 415:424], W[:, 524:525],
                           W[:, 631:656]], axis=1)
    x = x + _dgT(s[...], wcs)
    gi = idxm[...]
    iot = lax.broadcasted_iota(jnp.int32, (_BLK, 37), 1)
    oh = (iot == gi[:, 0:1]).astype(F32)
    for t in range(1, 11):
        oh = oh + (iot == gi[:, t:t + 1]).astype(F32)
    x = x + lax.dot_general(oh, pm[...], (((1,), (0,)), ((), ())),
                            preferred_element_type=F32, precision=_HI)
    out[...] = x + bvec[...]


def _final(acc, win1, win2, s, idxm, wc, pm, b2, interpret=False):
    nblk = N_TOK // _BLK
    bs = lambda shp: pl.BlockSpec(shp, lambda i: (i, 0))
    full = lambda shp: pl.BlockSpec(shp, lambda i: (0, 0))
    return pl.pallas_call(
        _final_body,
        grid=(nblk,),
        in_specs=[bs((_BLK, 64)), bs((_BLK, 128)), bs((_BLK, 128)),
                  bs((_BLK, 36)), bs((_BLK, 11)),
                  full((64, 656)), full((37, 64)), full((1, 64))],
        out_specs=bs((_BLK, 64)),
        out_shape=jax.ShapeDtypeStruct((N_TOK, 64), F32),
        interpret=interpret,
    )(acc, win1, win2, s, idxm, wc, pm, b2)



_SCALARS = ('duration', 'solved_count', 'correct_before', 'wrong_before',
            'same_tag_solved_count', 'same_tag_correct_before',
            'same_tag_wrong_before', 'item_correct_percent',
            'user_correct_percent', 'current_correct_count', 'time_for_solve',
            'zero', 'user_ability', 'day_correct_percent',
            'correct_percent_group_one', 'correct_percent_group_two',
            'correct_percent_serial', 'duration_user', 'user_mode_hour',
            'hour', 'year', 'user_mode_year', 'test_min_year',
            'test_mode_year', 'test_max_year', 'item_min_year',
            'item_mode_year', 'item_max_year', 'user_max_year',
            'user_min_year', 'user_period_year', 'test_count', 'item_count',
            'item_difficulty', 'time_diff', 'user_solve_count')


def kernel(test, question, tag, interaction, test_group_one, test_group_two, serial, tag_group_one, tag_group_two, guess_yn, guess_yn_user, guess_yn_test, guess_yn_serial, guess_yn_assessment, guess_yn_tag, guess_yn_day, guess_yn_group_one, guess_yn_group_two, day_of_week, correct, mask, duration, startTime, elapsedTime, solved_count, correct_before, wrong_before, same_tag_solved_count, same_tag_correct_before, same_tag_wrong_before, item_correct_percent, user_correct_percent, current_correct_count, time_for_solve, correct_percent_group_one, correct_percent_group_two, correct_percent_serial, duration_user, item_difficulty, zero, user_ability, day_correct_percent, user_mode_hour, hour, year, user_mode_year, test_min_year, test_mode_year, test_max_year, item_min_year, item_mode_year, item_max_year, user_max_year, user_min_year, user_period_year, test_count, item_count, time_diff, user_solve_count, W_interaction, W_test, W_question, W_tag, W_test_group_one, W_serial, W_tag_group_one, W_tag_group_two, W_guess, W_guess_user, W_guess_test, W_guess_serial, W_guess_assessment, W_guess_tag, W_guess_day, W_guess_group_one, W_guess_group_two, W_day, comb_W, comb_b):
    env = dict(locals())
    B = test.shape[0]

    gs = (W_guess, W_guess_user, W_guess_test, W_guess_serial,
          W_guess_assessment, W_guess_tag, W_guess_day, W_guess_group_one,
          W_guess_group_two)
    pt0, pt1, pt2, pt3, pt4, pt5, pm = _prep(
        W_test, W_tag, W_question, W_test_group_one, W_serial, W_interaction,
        gs, W_day, comb_W)

    idx_sc = jnp.stack([test, tag, question, test_group_one, test_group_two,
                        serial, tag_group_one, tag_group_two])
    idx3 = idx_sc.reshape(8, N_TOK // CH, CH).transpose(1, 0, 2)
    acc, win1, win2 = _sc_gather((pt0, pt1, pt2, pt3, pt4, pt5),
                                 _repack(W_tag_group_one),
                                 _repack(W_tag_group_two), idx3)

    s = jnp.stack([env[n] for n in _SCALARS], axis=-1).reshape(N_TOK, 36)
    minis = (interaction, guess_yn, guess_yn_user, guess_yn_test,
             guess_yn_serial, guess_yn_assessment, guess_yn_tag, guess_yn_day,
             guess_yn_group_one, guess_yn_group_two, day_of_week)
    idxm = (jnp.stack(minis, axis=-1).reshape(N_TOK, 11)
            + jnp.array(_BASES, jnp.int32))
    X = _final(acc, win1, win2, s, idxm, comb_W, pm,
               comb_b.reshape(1, 64))
    return X.reshape(B, 50, 64), B

# --- scband reference (transcript-rebuilt; emitter-appended) ---
"""Pipeline reference for scband-model-base-40690520163131 (READ-ONLY COPY).

The authoritative reference and input builder live on the scoring server;
editing this copy changes nothing except your own understanding.
"""

import jax, jax.numpy as jnp
import numpy as np

B, L = 1024, 50
INTD = 21
INT_SPECS = {
    'test': 1539, 'question': 9456, 'tag': 914, 'interaction': 3,
    'test_group_one': 1001, 'test_group_two': 1001, 'serial': 1001,
    'tag_group_one': 913001, 'tag_group_two': 913001,
    'guess_yn': 3, 'guess_yn_user': 3, 'guess_yn_test': 3, 'guess_yn_serial': 3,
    'guess_yn_assessment': 3, 'guess_yn_tag': 3, 'guess_yn_day': 3,
    'guess_yn_group_one': 3, 'guess_yn_group_two': 3, 'day_of_week': 7,
}
FLOAT_NAMES = ['correct', 'mask', 'duration', 'startTime', 'elapsedTime',
    'solved_count', 'correct_before', 'wrong_before', 'same_tag_solved_count',
    'same_tag_correct_before', 'same_tag_wrong_before', 'item_correct_percent',
    'user_correct_percent', 'current_correct_count', 'time_for_solve',
    'correct_percent_group_one', 'correct_percent_group_two', 'correct_percent_serial',
    'duration_user', 'item_difficulty', 'zero', 'user_ability', 'day_correct_percent',
    'user_mode_hour', 'hour', 'year', 'user_mode_year', 'test_min_year', 'test_mode_year',
    'test_max_year', 'item_min_year', 'item_mode_year', 'item_max_year', 'user_max_year',
    'user_min_year', 'user_period_year', 'test_count', 'item_count', 'time_diff',
    'user_solve_count']
PARAM_SHAPES = {
    'W_interaction': (3, INTD), 'W_test': (1539, INTD), 'W_question': (9456, INTD),
    'W_tag': (914, INTD), 'W_test_group_one': (1001, 115), 'W_serial': (1001, 100),
    'W_tag_group_one': (913001, 50), 'W_tag_group_two': (913001, 50),
    'W_guess': (3, 10), 'W_guess_user': (3, 10), 'W_guess_test': (3, 10),
    'W_guess_serial': (3, 10), 'W_guess_assessment': (3, 10), 'W_guess_tag': (3, 10),
    'W_guess_day': (3, 10), 'W_guess_group_one': (3, 10), 'W_guess_group_two': (3, 10),
    'W_day': (7, 16), 'comb_W': (64, 656), 'comb_b': (64,),
}

def setup_inputs(seed: int = 0):
    key = jax.random.key(seed)
    inp = {}
    i = 0
    for name, hi in INT_SPECS.items():
        i += 1
        inp[name] = jax.random.randint(jax.random.fold_in(key, i), (B, L), 0, hi, dtype=jnp.int32)
    for name in FLOAT_NAMES:
        i += 1
        if name == 'zero':
            inp[name] = jnp.zeros((B, L), dtype=jnp.float32)
        else:
            inp[name] = jax.random.uniform(jax.random.fold_in(key, i), (B, L), dtype=jnp.float32)
    for name, shp in PARAM_SHAPES.items():
        i += 1
        inp[name] = jax.random.normal(jax.random.fold_in(key, i), shp, dtype=jnp.float32) * 0.02
    return inp

def _forward(f, idx):
    def sc(n):
        return f[n][..., None]
    parts = [
        f['W_test'][idx['test']],
        f['W_tag'][idx['tag']],
        f['W_question'][idx['question']],
        f['W_interaction'][idx['interaction']],
        sc('duration'),
        f['W_test_group_one'][idx['test_group_one']],
        f['W_test_group_one'][idx['test_group_two']],
        f['W_serial'][idx['serial']],
        sc('solved_count'), sc('correct_before'), sc('wrong_before'),
        sc('same_tag_solved_count'), sc('same_tag_correct_before'), sc('same_tag_wrong_before'),
        sc('item_correct_percent'), sc('user_correct_percent'), sc('current_correct_count'),
        f['W_tag_group_one'][idx['tag_group_one']],
        f['W_tag_group_two'][idx['tag_group_two']],
        sc('time_for_solve'),
        f['W_guess'][idx['guess_yn']],
        f['W_guess_user'][idx['guess_yn_user']],
        f['W_guess_test'][idx['guess_yn_test']],
        f['W_guess_serial'][idx['guess_yn_serial']],
        f['W_guess_assessment'][idx['guess_yn_assessment']],
        f['W_guess_tag'][idx['guess_yn_tag']],
        f['W_guess_day'][idx['guess_yn_day']],
        f['W_guess_group_one'][idx['guess_yn_group_one']],
        f['W_guess_group_two'][idx['guess_yn_group_two']],
        f['W_day'][idx['day_of_week']],
        sc('zero'), sc('user_ability'), sc('day_correct_percent'),
        sc('correct_percent_group_one'), sc('correct_percent_group_two'), sc('correct_percent_serial'),
        sc('duration_user'), sc('user_mode_hour'), sc('hour'), sc('year'),
        sc('user_mode_year'), sc('test_min_year'), sc('test_mode_year'), sc('test_max_year'),
        sc('item_min_year'), sc('item_mode_year'), sc('item_max_year'),
        sc('user_max_year'), sc('user_min_year'), sc('user_period_year'),
        sc('test_count'), sc('item_count'), sc('item_difficulty'), sc('time_diff'), sc('user_solve_count'),
    ]
    embed = jnp.concatenate(parts, axis=2)
    X = embed @ f['comb_W'].T + f['comb_b']
    return X

def reference(test, question, tag, interaction, test_group_one, test_group_two,
              serial, tag_group_one, tag_group_two, guess_yn, guess_yn_user,
              guess_yn_test, guess_yn_serial, guess_yn_assessment, guess_yn_tag,
              guess_yn_day, guess_yn_group_one, guess_yn_group_two, day_of_week,
              correct, mask, duration, startTime, elapsedTime, solved_count,
              correct_before, wrong_before, same_tag_solved_count,
              same_tag_correct_before, same_tag_wrong_before, item_correct_percent,
              user_correct_percent, current_correct_count, time_for_solve,
              correct_percent_group_one, correct_percent_group_two,
              correct_percent_serial, duration_user, item_difficulty, zero,
              user_ability, day_correct_percent, user_mode_hour, hour, year,
              user_mode_year, test_min_year, test_mode_year, test_max_year,
              item_min_year, item_mode_year, item_max_year, user_max_year,
              user_min_year, user_period_year, test_count, item_count, time_diff,
              user_solve_count, W_interaction, W_test, W_question, W_tag,
              W_test_group_one, W_serial, W_tag_group_one, W_tag_group_two,
              W_guess, W_guess_user, W_guess_test, W_guess_serial,
              W_guess_assessment, W_guess_tag, W_guess_day, W_guess_group_one,
              W_guess_group_two, W_day, comb_W, comb_b):
    inp = dict(locals())
    idx = {k: inp[k] for k in INT_SPECS}
    f = {k: v for k, v in inp.items() if k not in INT_SPECS}
    X = _forward(f, idx)
    return (X, idx['interaction'].shape[0])

if __name__ == "__main__":
    import jax
    _d = setup_inputs()
    print(jax.jit(kernel)(*tuple(_d.values())))

</pallas_src>

<mosaic_0001>
#map = affine_map<(d0, d1) -> (0, 0)>
#map1 = affine_map<(d0, d1) -> (0, 0, 0)>
module attributes {stable_mosaic.version = 14 : i64} {
  func.func @_sc_body(%arg0: i32, %arg1: i32, %arg2: memref<1539x64xf32, #tpu.memory_space<hbm>>, %arg3: memref<914x64xf32, #tpu.memory_space<hbm>>, %arg4: memref<9456x64xf32, #tpu.memory_space<hbm>>, %arg5: memref<1001x64xf32, #tpu.memory_space<hbm>>, %arg6: memref<1001x64xf32, #tpu.memory_space<hbm>>, %arg7: memref<1001x64xf32, #tpu.memory_space<hbm>>, %arg8: memref<913001x128xf32, #tpu.memory_space<hbm>>, %arg9: memref<913001x128xf32, #tpu.memory_space<hbm>>, %arg10: memref<640x8x80xi32, #tpu.memory_space<hbm>>, %arg11: memref<51200x64xf32, #tpu.memory_space<hbm>>, %arg12: memref<51200x128xf32, #tpu.memory_space<hbm>>, %arg13: memref<51200x128xf32, #tpu.memory_space<hbm>>, %arg14: memref<8x80xi32, #tpu.memory_space<vmem>>, %arg15: memref<80x64xf32, #tpu.memory_space<vmem>>, %arg16: memref<80x64xf32, #tpu.memory_space<vmem>>, %arg17: memref<80x64xf32, #tpu.memory_space<vmem>>, %arg18: memref<80x64xf32, #tpu.memory_space<vmem>>, %arg19: memref<80x64xf32, #tpu.memory_space<vmem>>, %arg20: memref<80x64xf32, #tpu.memory_space<vmem>>, %arg21: memref<80x128xf32, #tpu.memory_space<vmem>>, %arg22: memref<80x128xf32, #tpu.memory_space<vmem>>, %arg23: memref<80x64xf32, #tpu.memory_space<vmem>>, %arg24: memref<!tpu.dma_semaphore, #tpu.memory_space<semaphore_mem>>, %arg25: memref<!tpu.dma_semaphore, #tpu.memory_space<semaphore_mem>>, %arg26: memref<!tpu.dma_semaphore, #tpu.memory_space<semaphore_mem>>, %arg27: memref<!tpu.dma_semaphore, #tpu.memory_space<semaphore_mem>>, %arg28: memref<!tpu.dma_semaphore, #tpu.memory_space<semaphore_mem>>, %arg29: memref<!tpu.dma_semaphore, #tpu.memory_space<semaphore_mem>>, %arg30: memref<!tpu.dma_semaphore, #tpu.memory_space<semaphore_mem>>, %arg31: memref<!tpu.dma_semaphore, #tpu.memory_space<semaphore_mem>>) attributes {dimension_semantics = [#tpu.dimension_semantics<core_parallel>, #tpu.dimension_semantics<subcore_parallel>], iteration_bounds = array<i64: 2, 16>, scalar_prefetch = 0 : i64, scratch_operands = 18 : i64, tpu.core_type = #tpu.core_type<sc_vector_subcore>, window_params = [{transform_indices = #map}, {transform_indices = #map}, {transform_indices = #map}, {transform_indices = #map}, {transform_indices = #map}, {transform_indices = #map}, {transform_indices = #map}, {transform_indices = #map}, {transform_indices = #map1}, {transform_indices = #map}, {transform_indices = #map}, {transform_indices = #map}]} {
    %mul3A = arith.constant 2 : i32
    %mul3A_0 = arith.muli %arg1, %mul3A : i32
    %add3A = arith.addi %mul3A_0, %arg0 : i32
    %scan3A = arith.constant 0 : i32
    %scan3A_1 = arith.constant 0 : i32
    %scan3A_2 = arith.constant 20 : i32
    %scan3A_3 = arith.addi %scan3A_1, %scan3A_2 : i32
    %scan3A_4 = arith.constant 1 : i32
    scf.for %scan3A_6 = %scan3A_1 to %scan3A_3 step %scan3A_4  : i32 {
      %mul3A_7 = arith.constant 20 : i32
      %mul3A_8 = arith.muli %add3A, %mul3A_7 : i32
      %add3A_9 = arith.addi %mul3A_8, %scan3A_6 : i32
      %mul3A_10 = arith.constant 1600 : i32
      %mul3A_11 = arith.muli %add3A, %mul3A_10 : i32
      %mul3A_12 = arith.constant 80 : i32
      %mul3A_13 = arith.muli %scan3A_6, %mul3A_12 : i32
      %add3A_14 = arith.addi %mul3A_11, %mul3A_13 : i32
      "tpu.region"() ({
        %run_scoped3A = tpu.sem_alloc : memref<!tpu.dma_semaphore, #tpu.memory_space<semaphore_mem>>
        %dma_start3A_131 = arith.constant 0 : i32
        %dma_start3A_132 = arith.constant 0 : i32
        %dma_start3A_133 = tpu.memref_slice %arg10[%add3A_9, %dma_start3A_131, %dma_start3A_132] : memref<640x8x80xi32, #tpu.memory_space<hbm>> -> memref<1x8x80xi32, #tpu.memory_space<hbm>>
        %dma_start3A_134 = tpu.memref_squeeze %dma_start3A_133 : memref<1x8x80xi32, #tpu.memory_space<hbm>> -> memref<8x80xi32, #tpu.memory_space<hbm>>
        %dma_start3A_135 = arith.constant 0 : i32
        %dma_start3A_136 = arith.constant 0 : i32
        %dma_start3A_137 = tpu.memref_slice %arg10[%add3A_9, %dma_start3A_135, %dma_start3A_136] : memref<640x8x80xi32, #tpu.memory_space<hbm>> -> memref<1x8x80xi32, #tpu.memory_space<hbm>>
        %dma_start3A_138 = tpu.memref_squeeze %dma_start3A_137 : memref<1x8x80xi32, #tpu.memory_space<hbm>> -> memref<8x80xi32, #tpu.memory_space<hbm>>
        tpu.enqueue_dma source(%dma_start3A_138 : memref<8x80xi32, #tpu.memory_space<hbm>>) target(%arg14 : memref<8x80xi32, #tpu.memory_space<vmem>>) target_semaphore(%run_scoped3A : memref<!tpu.dma_semaphore, #tpu.memory_space<semaphore_mem>>)
        %dma_wait3A_139 = arith.constant 0 : i32
        %dma_wait3A_140 = arith.constant 0 : i32
        %dma_wait3A_141 = tpu.memref_slice %arg10[%add3A_9, %dma_wait3A_139, %dma_wait3A_140] : memref<640x8x80xi32, #tpu.memory_space<hbm>> -> memref<1x8x80xi32, #tpu.memory_space<hbm>>
        %dma_wait3A_142 = tpu.memref_squeeze %dma_wait3A_141 : memref<1x8x80xi32, #tpu.memory_space<hbm>> -> memref<8x80xi32, #tpu.memory_space<hbm>>
        %dma_wait3A_143 = arith.constant 0 : i32
        %dma_wait3A_144 = arith.constant 0 : i32
        %dma_wait3A_145 = tpu.memref_slice %arg10[%add3A_9, %dma_wait3A_143, %dma_wait3A_144] : memref<640x8x80xi32, #tpu.memory_space<hbm>> -> memref<1x8x80xi32, #tpu.memory_space<hbm>>
        %dma_wait3A_146 = tpu.memref_squeeze %dma_wait3A_145 : memref<1x8x80xi32, #tpu.memory_space<hbm>> -> memref<8x80xi32, #tpu.memory_space<hbm>>
        tpu.wait_dma2 semaphore(%run_scoped3A : memref<!tpu.dma_semaphore, #tpu.memory_space<semaphore_mem>>) src(%dma_wait3A_146 : memref<8x80xi32, #tpu.memory_space<hbm>>) dst(%arg14 : memref<8x80xi32, #tpu.memory_space<vmem>>)
        tpu.yield
      }) : () -> ()
      %dma_start3A = arith.constant 0 : i32
      %dma_start3A_15 = arith.constant 0 : i32
      %dma_start3A_16 = tpu.memref_slice %arg14[%dma_start3A, %dma_start3A_15] : memref<8x80xi32, #tpu.memory_space<vmem>> -> memref<1x80xi32, #tpu.memory_space<vmem>>
      %dma_start3A_17 = tpu.memref_squeeze %dma_start3A_16 : memref<1x80xi32, #tpu.memory_space<vmem>> -> memref<80xi32, #tpu.memory_space<vmem>>
      %dma_start3A_18 = arith.constant 0 : i32
      %dma_start3A_19 = arith.constant 0 : i32
      %dma_start3A_20 = tpu.memref_slice %arg2[%dma_start3A_18, %dma_start3A_19] : memref<1539x64xf32, #tpu.memory_space<hbm>> -> memref<1539x64xf32, #tpu.memory_space<hbm>>
      tpu.enqueue_indirect_dma source(%dma_start3A_20 : memref<1539x64xf32, #tpu.memory_space<hbm>>) target(%arg15 : memref<80x64xf32, #tpu.memory_space<vmem>>) offsets(%dma_start3A_17 : memref<80xi32, #tpu.memory_space<vmem>>) semaphore(%arg24 : memref<!tpu.dma_semaphore, #tpu.memory_space<semaphore_mem>>)
      %dma_start3A_21 = arith.constant 1 : i32
      %dma_start3A_22 = arith.constant 0 : i32
      %dma_start3A_23 = tpu.memref_slice %arg14[%dma_start3A_21, %dma_start3A_22] : memref<8x80xi32, #tpu.memory_space<vmem>> -> memref<1x80xi32, #tpu.memory_space<vmem>>
      %dma_start3A_24 = tpu.memref_squeeze %dma_start3A_23 : memref<1x80xi32, #tpu.memory_space<vmem>> -> memref<80xi32, #tpu.memory_space<vmem>>
      %dma_start3A_25 = arith.constant 0 : i32
      %dma_start3A_26 = arith.constant 0 : i32
      %dma_start3A_27 = tpu.memref_slice %arg3[%dma_start3A_25, %dma_start3A_26] : memref<914x64xf32, #tpu.memory_space<hbm>> -> memref<914x64xf32, #tpu.memory_space<hbm>>
      tpu.enqueue_indirect_dma source(%dma_start3A_27 : memref<914x64xf32, #tpu.memory_space<hbm>>) target(%arg16 : memref<80x64xf32, #tpu.memory_space<vmem>>) offsets(%dma_start3A_24 : memref<80xi32, #tpu.memory_space<vmem>>) semaphore(%arg25 : memref<!tpu.dma_semaphore, #tpu.memory_space<semaphore_mem>>)
      %dma_start3A_28 = arith.constant 2 : i32
      %dma_start3A_29 = arith.constant 0 : i32
      %dma_start3A_30 = tpu.memref_slice %arg14[%dma_start3A_28, %dma_start3A_29] : memref<8x80xi32, #tpu.memory_space<vmem>> -> memref<1x80xi32, #tpu.memory_space<vmem>>
      %dma_start3A_31 = tpu.memref_squeeze %dma_start3A_30 : memref<1x80xi32, #tpu.memory_space<vmem>> -> memref<80xi32, #tpu.memory_space<vmem>>
      %dma_start3A_32 = arith.constant 0 : i32
      %dma_start3A_33 = arith.constant 0 : i32
      %dma_start3A_34 = tpu.memref_slice %arg4[%dma_start3A_32, %dma_start3A_33] : memref<9456x64xf32, #tpu.memory_space<hbm>> -> memref<9456x64xf32, #tpu.memory_space<hbm>>
      tpu.enqueue_indirect_dma source(%dma_start3A_34 : memref<9456x64xf32, #tpu.memory_space<hbm>>) target(%arg17 : memref<80x64xf32, #tpu.memory_space<vmem>>) offsets(%dma_start3A_31 : memref<80xi32, #tpu.memory_space<vmem>>) semaphore(%arg26 : memref<!tpu.dma_semaphore, #tpu.memory_space<semaphore_mem>>)
      %dma_start3A_35 = arith.constant 3 : i32
      %dma_start3A_36 = arith.constant 0 : i32
      %dma_start3A_37 = tpu.memref_slice %arg14[%dma_start3A_35, %dma_start3A_36] : memref<8x80xi32, #tpu.memory_space<vmem>> -> memref<1x80xi32, #tpu.memory_space<vmem>>
      %dma_start3A_38 = tpu.memref_squeeze %dma_start3A_37 : memref<1x80xi32, #tpu.memory_space<vmem>> -> memref<80xi32, #tpu.memory_space<vmem>>
      %dma_start3A_39 = arith.constant 0 : i32
      %dma_start3A_40 = arith.constant 0 : i32
      %dma_start3A_41 = tpu.memref_slice %arg5[%dma_start3A_39, %dma_start3A_40] : memref<1001x64xf32, #tpu.memory_space<hbm>> -> memref<1001x64xf32, #tpu.memory_space<hbm>>
      tpu.enqueue_indirect_dma source(%dma_start3A_41 : memref<1001x64xf32, #tpu.memory_space<hbm>>) target(%arg18 : memref<80x64xf32, #tpu.memory_space<vmem>>) offsets(%dma_start3A_38 : memref<80xi32, #tpu.memory_space<vmem>>) semaphore(%arg27 : memref<!tpu.dma_semaphore, #tpu.memory_space<semaphore_mem>>)
      %dma_start3A_42 = arith.constant 4 : i32
      %dma_start3A_43 = arith.constant 0 : i32
      %dma_start3A_44 = tpu.memref_slice %arg14[%dma_start3A_42, %dma_start3A_43] : memref<8x80xi32, #tpu.memory_space<vmem>> -> memref<1x80xi32, #tpu.memory_space<vmem>>
      %dma_start3A_45 = tpu.memref_squeeze %dma_start3A_44 : memref<1x80xi32, #tpu.memory_space<vmem>> -> memref<80xi32, #tpu.memory_space<vmem>>
      %dma_start3A_46 = arith.constant 0 : i32
      %dma_start3A_47 = arith.constant 0 : i32
      %dma_start3A_48 = tpu.memref_slice %arg6[%dma_start3A_46, %dma_start3A_47] : memref<1001x64xf32, #tpu.memory_space<hbm>> -> memref<1001x64xf32, #tpu.memory_space<hbm>>
      tpu.enqueue_indirect_dma source(%dma_start3A_48 : memref<1001x64xf32, #tpu.memory_space<hbm>>) target(%arg19 : memref<80x64xf32, #tpu.memory_space<vmem>>) offsets(%dma_start3A_45 : memref<80xi32, #tpu.memory_space<vmem>>) semaphore(%arg28 : memref<!tpu.dma_semaphore, #tpu.memory_space<semaphore_mem>>)
      %dma_start3A_49 = arith.constant 5 : i32
      %dma_start3A_50 = arith.constant 0 : i32
      %dma_start3A_51 = tpu.memref_slice %arg14[%dma_start3A_49, %dma_start3A_50] : memref<8x80xi32, #tpu.memory_space<vmem>> -> memref<1x80xi32, #tpu.memory_space<vmem>>
      %dma_start3A_52 = tpu.memref_squeeze %dma_start3A_51 : memref<1x80xi32, #tpu.memory_space<vmem>> -> memref<80xi32, #tpu.memory_space<vmem>>
      %dma_start3A_53 = arith.constant 0 : i32
      %dma_start3A_54 = arith.constant 0 : i32
      %dma_start3A_55 = tpu.memref_slice %arg7[%dma_start3A_53, %dma_start3A_54] : memref<1001x64xf32, #tpu.memory_space<hbm>> -> memref<1001x64xf32, #tpu.memory_space<hbm>>
      tpu.enqueue_indirect_dma source(%dma_start3A_55 : memref<1001x64xf32, #tpu.memory_space<hbm>>) target(%arg20 : memref<80x64xf32, #tpu.memory_space<vmem>>) offsets(%dma_start3A_52 : memref<80xi32, #tpu.memory_space<vmem>>) semaphore(%arg29 : memref<!tpu.dma_semaphore, #tpu.memory_space<semaphore_mem>>)
      %dma_start3A_56 = arith.constant 6 : i32
      %dma_start3A_57 = arith.constant 0 : i32
      %dma_start3A_58 = tpu.memref_slice %arg14[%dma_start3A_56, %dma_start3A_57] : memref<8x80xi32, #tpu.memory_space<vmem>> -> memref<1x80xi32, #tpu.memory_space<vmem>>
      %dma_start3A_59 = tpu.memref_squeeze %dma_start3A_58 : memref<1x80xi32, #tpu.memory_space<vmem>> -> memref<80xi32, #tpu.memory_space<vmem>>
      %dma_start3A_60 = arith.constant 0 : i32
      %dma_start3A_61 = arith.constant 0 : i32
      %dma_start3A_62 = tpu.memref_slice %arg8[%dma_start3A_60, %dma_start3A_61] : memref<913001x128xf32, #tpu.memory_space<hbm>> -> memref<913001x128xf32, #tpu.memory_space<hbm>>
      tpu.enqueue_indirect_dma source(%dma_start3A_62 : memref<913001x128xf32, #tpu.memory_space<hbm>>) target(%arg21 : memref<80x128xf32, #tpu.memory_space<vmem>>) offsets(%dma_start3A_59 : memref<80xi32, #tpu.memory_space<vmem>>) semaphore(%arg30 : memref<!tpu.dma_semaphore, #tpu.memory_space<semaphore_mem>>)
      %dma_start3A_63 = arith.constant 7 : i32
      %dma_start3A_64 = arith.constant 0 : i32
      %dma_start3A_65 = tpu.memref_slice %arg14[%dma_start3A_63, %dma_start3A_64] : memref<8x80xi32, #tpu.memory_space<vmem>> -> memref<1x80xi32, #tpu.memory_space<vmem>>
      %dma_start3A_66 = tpu.memref_squeeze %dma_start3A_65 : memref<1x80xi32, #tpu.memory_space<vmem>> -> memref<80xi32, #tpu.memory_space<vmem>>
      %dma_start3A_67 = arith.constant 0 : i32
      %dma_start3A_68 = arith.constant 0 : i32
      %dma_start3A_69 = tpu.memref_slice %arg9[%dma_start3A_67, %dma_start3A_68] : memref<913001x128xf32, #tpu.memory_space<hbm>> -> memref<913001x128xf32, #tpu.memory_space<hbm>>
      tpu.enqueue_indirect_dma source(%dma_start3A_69 : memref<913001x128xf32, #tpu.memory_space<hbm>>) target(%arg22 : memref<80x128xf32, #tpu.memory_space<vmem>>) offsets(%dma_start3A_66 : memref<80xi32, #tpu.memory_space<vmem>>) semaphore(%arg31 : memref<!tpu.dma_semaphore, #tpu.memory_space<semaphore_mem>>)
      %dma_wait3A = arith.constant 0 : i32
      %dma_wait3A_70 = arith.constant 0 : i32
      %dma_wait3A_71 = tpu.memref_slice %arg14[%dma_wait3A, %dma_wait3A_70] : memref<8x80xi32, #tpu.memory_space<vmem>> -> memref<1x80xi32, #tpu.memory_space<vmem>>
      %dma_wait3A_72 = tpu.memref_squeeze %dma_wait3A_71 : memref<1x80xi32, #tpu.memory_space<vmem>> -> memref<80xi32, #tpu.memory_space<vmem>>
      %dma_wait3A_73 = arith.constant 0 : i32
      %dma_wait3A_74 = arith.constant 0 : i32
      %dma_wait3A_75 = tpu.memref_slice %arg2[%dma_wait3A_73, %dma_wait3A_74] : memref<1539x64xf32, #tpu.memory_space<hbm>> -> memref<1539x64xf32, #tpu.memory_space<hbm>>
      tpu.wait_indirect_dma semaphore(%arg24 : memref<!tpu.dma_semaphore, #tpu.memory_space<semaphore_mem>>) src(%dma_wait3A_75 : memref<1539x64xf32, #tpu.memory_space<hbm>>) dst(%arg15 : memref<80x64xf32, #tpu.memory_space<vmem>>)
      %dma_wait3A_76 = arith.constant 1 : i32
      %dma_wait3A_77 = arith.constant 0 : i32
      %dma_wait3A_78 = tpu.memref_slice %arg14[%dma_wait3A_76, %dma_wait3A_77] : memref<8x80xi32, #tpu.memory_space<vmem>> -> memref<1x80xi32, #tpu.memory_space<vmem>>
      %dma_wait3A_79 = tpu.memref_squeeze %dma_wait3A_78 : memref<1x80xi32, #tpu.memory_space<vmem>> -> memref<80xi32, #tpu.memory_space<vmem>>
      %dma_wait3A_80 = arith.constant 0 : i32
      %dma_wait3A_81 = arith.constant 0 : i32
      %dma_wait3A_82 = tpu.memref_slice %arg3[%dma_wait3A_80, %dma_wait3A_81] : memref<914x64xf32, #tpu.memory_space<hbm>> -> memref<914x64xf32, #tpu.memory_space<hbm>>
      tpu.wait_indirect_dma semaphore(%arg25 : memref<!tpu.dma_semaphore, #tpu.memory_space<semaphore_mem>>) src(%dma_wait3A_82 : memref<914x64xf32, #tpu.memory_space<hbm>>) dst(%arg16 : memref<80x64xf32, #tpu.memory_space<vmem>>)
      %dma_wait3A_83 = arith.constant 2 : i32
      %dma_wait3A_84 = arith.constant 0 : i32
      %dma_wait3A_85 = tpu.memref_slice %arg14[%dma_wait3A_83, %dma_wait3A_84] : memref<8x80xi32, #tpu.memory_space<vmem>> -> memref<1x80xi32, #tpu.memory_space<vmem>>
      %dma_wait3A_86 = tpu.memref_squeeze %dma_wait3A_85 : memref<1x80xi32, #tpu.memory_space<vmem>> -> memref<80xi32, #tpu.memory_space<vmem>>
      %dma_wait3A_87 = arith.constant 0 : i32
      %dma_wait3A_88 = arith.constant 0 : i32
      %dma_wait3A_89 = tpu.memref_slice %arg4[%dma_wait3A_87, %dma_wait3A_88] : memref<9456x64xf32, #tpu.memory_space<hbm>> -> memref<9456x64xf32, #tpu.memory_space<hbm>>
      tpu.wait_indirect_dma semaphore(%arg26 : memref<!tpu.dma_semaphore, #tpu.memory_space<semaphore_mem>>) src(%dma_wait3A_89 : memref<9456x64xf32, #tpu.memory_space<hbm>>) dst(%arg17 : memref<80x64xf32, #tpu.memory_space<vmem>>)
      %dma_wait3A_90 = arith.constant 3 : i32
      %dma_wait3A_91 = arith.constant 0 : i32
      %dma_wait3A_92 = tpu.memref_slice %arg14[%dma_wait3A_90, %dma_wait3A_91] : memref<8x80xi32, #tpu.memory_space<vmem>> -> memref<1x80xi32, #tpu.memory_space<vmem>>
      %dma_wait3A_93 = tpu.memref_squeeze %dma_wait3A_92 : memref<1x80xi32, #tpu.memory_space<vmem>> -> memref<80xi32, #tpu.memory_space<vmem>>
      %dma_wait3A_94 = arith.constant 0 : i32
      %dma_wait3A_95 = arith.constant 0 : i32
      %dma_wait3A_96 = tpu.memref_slice %arg5[%dma_wait3A_94, %dma_wait3A_95] : memref<1001x64xf32, #tpu.memory_space<hbm>> -> memref<1001x64xf32, #tpu.memory_space<hbm>>
      tpu.wait_indirect_dma semaphore(%arg27 : memref<!tpu.dma_semaphore, #tpu.memory_space<semaphore_mem>>) src(%dma_wait3A_96 : memref<1001x64xf32, #tpu.memory_space<hbm>>) dst(%arg18 : memref<80x64xf32, #tpu.memory_space<vmem>>)
      %dma_wait3A_97 = arith.constant 4 : i32
      %dma_wait3A_98 = arith.constant 0 : i32
      %dma_wait3A_99 = tpu.memref_slice %arg14[%dma_wait3A_97, %dma_wait3A_98] : memref<8x80xi32, #tpu.memory_space<vmem>> -> memref<1x80xi32, #tpu.memory_space<vmem>>
      %dma_wait3A_100 = tpu.memref_squeeze %dma_wait3A_99 : memref<1x80xi32, #tpu.memory_space<vmem>> -> memref<80xi32, #tpu.memory_space<vmem>>
      %dma_wait3A_101 = arith.constant 0 : i32
      %dma_wait3A_102 = arith.constant 0 : i32
      %dma_wait3A_103 = tpu.memref_slice %arg6[%dma_wait3A_101, %dma_wait3A_102] : memref<1001x64xf32, #tpu.memory_space<hbm>> -> memref<1001x64xf32, #tpu.memory_space<hbm>>
      tpu.wait_indirect_dma semaphore(%arg28 : memref<!tpu.dma_semaphore, #tpu.memory_space<semaphore_mem>>) src(%dma_wait3A_103 : memref<1001x64xf32, #tpu.memory_space<hbm>>) dst(%arg19 : memref<80x64xf32, #tpu.memory_space<vmem>>)
      %dma_wait3A_104 = arith.constant 5 : i32
      %dma_wait3A_105 = arith.constant 0 : i32
      %dma_wait3A_106 = tpu.memref_slice %arg14[%dma_wait3A_104, %dma_wait3A_105] : memref<8x80xi32, #tpu.memory_space<vmem>> -> memref<1x80xi32, #tpu.memory_space<vmem>>
      %dma_wait3A_107 = tpu.memref_squeeze %dma_wait3A_106 : memref<1x80xi32, #tpu.memory_space<vmem>> -> memref<80xi32, #tpu.memory_space<vmem>>
      %dma_wait3A_108 = arith.constant 0 : i32
      %dma_wait3A_109 = arith.constant 0 : i32
      %dma_wait3A_110 = tpu.memref_slice %arg7[%dma_wait3A_108, %dma_wait3A_109] : memref<1001x64xf32, #tpu.memory_space<hbm>> -> memref<1001x64xf32, #tpu.memory_space<hbm>>
      tpu.wait_indirect_dma semaphore(%arg29 : memref<!tpu.dma_semaphore, #tpu.memory_space<semaphore_mem>>) src(%dma_wait3A_110 : memref<1001x64xf32, #tpu.memory_space<hbm>>) dst(%arg20 : memref<80x64xf32, #tpu.memory_space<vmem>>)
      %dma_wait3A_111 = arith.constant 6 : i32
      %dma_wait3A_112 = arith.constant 0 : i32
      %dma_wait3A_113 = tpu.memref_slice %arg14[%dma_wait3A_111, %dma_wait3A_112] : memref<8x80xi32, #tpu.memory_space<vmem>> -> memref<1x80xi32, #tpu.memory_space<vmem>>
      %dma_wait3A_114 = tpu.memref_squeeze %dma_wait3A_113 : memref<1x80xi32, #tpu.memory_space<vmem>> -> memref<80xi32, #tpu.memory_space<vmem>>
      %dma_wait3A_115 = arith.constant 0 : i32
      %dma_wait3A_116 = arith.constant 0 : i32
      %dma_wait3A_117 = tpu.memref_slice %arg8[%dma_wait3A_115, %dma_wait3A_116] : memref<913001x128xf32, #tpu.memory_space<hbm>> -> memref<913001x128xf32, #tpu.memory_space<hbm>>
      tpu.wait_indirect_dma semaphore(%arg30 : memref<!tpu.dma_semaphore, #tpu.memory_space<semaphore_mem>>) src(%dma_wait3A_117 : memref<913001x128xf32, #tpu.memory_space<hbm>>) dst(%arg21 : memref<80x128xf32, #tpu.memory_space<vmem>>)
      %dma_wait3A_118 = arith.constant 7 : i32
      %dma_wait3A_119 = arith.constant 0 : i32
      %dma_wait3A_120 = tpu.memref_slice %arg14[%dma_wait3A_118, %dma_wait3A_119] : memref<8x80xi32, #tpu.memory_space<vmem>> -> memref<1x80xi32, #tpu.memory_space<vmem>>
      %dma_wait3A_121 = tpu.memref_squeeze %dma_wait3A_120 : memref<1x80xi32, #tpu.memory_space<vmem>> -> memref<80xi32, #tpu.memory_space<vmem>>
      %dma_wait3A_122 = arith.constant 0 : i32
      %dma_wait3A_123 = arith.constant 0 : i32
      %dma_wait3A_124 = tpu.memref_slice %arg9[%dma_wait3A_122, %dma_wait3A_123] : memref<913001x128xf32, #tpu.memory_space<hbm>> -> memref<913001x128xf32, #tpu.memory_space<hbm>>
      tpu.wait_indirect_dma semaphore(%arg31 : memref<!tpu.dma_semaphore, #tpu.memory_space<semaphore_mem>>) src(%dma_wait3A_124 : memref<913001x128xf32, #tpu.memory_space<hbm>>) dst(%arg22 : memref<80x128xf32, #tpu.memory_space<vmem>>)
      %scan3A_125 = arith.constant 0 : i32
      %scan3A_126 = arith.constant 0 : i32
      %scan3A_127 = arith.constant 80 : i32
      %scan3A_128 = arith.addi %scan3A_126, %scan3A_127 : i32
      %scan3A_129 = arith.constant 1 : i32
      scf.for %scan3A_131 = %scan3A_126 to %scan3A_128 step %scan3A_129  : i32 {
        %get3A = arith.index_cast %scan3A_131 : i32 to index
        %get3A_132 = arith.constant 0 : index
        %get3A_133 = tpu.vector_load %arg15[%get3A, %get3A_132] {strides = array<i32>} : memref<80x64xf32, #tpu.memory_space<vmem>>, vector<1x16xf32>,
        %get3A_134 = vector.shape_cast %get3A_133 : vector<1x16xf32> to vector<16xf32>
        %get3A_135 = arith.index_cast %scan3A_131 : i32 to index
        %get3A_136 = arith.constant 0 : index
        %get3A_137 = tpu.vector_load %arg16[%get3A_135, %get3A_136] {strides = array<i32>} : memref<80x64xf32, #tpu.memory_space<vmem>>, vector<1x16xf32>,
        %get3A_138 = vector.shape_cast %get3A_137 : vector<1x16xf32> to vector<16xf32>
        %add3A_139 = arith.addf %get3A_134, %get3A_138 : vector<16xf32>
        %get3A_140 = arith.index_cast %scan3A_131 : i32 to index
        %get3A_141 = arith.constant 0 : index
        %get3A_142 = tpu.vector_load %arg17[%get3A_140, %get3A_141] {strides = array<i32>} : memref<80x64xf32, #tpu.memory_space<vmem>>, vector<1x16xf32>,
        %get3A_143 = vector.shape_cast %get3A_142 : vector<1x16xf32> to vector<16xf32>
        %add3A_144 = arith.addf %add3A_139, %get3A_143 : vector<16xf32>
        %get3A_145 = arith.index_cast %scan3A_131 : i32 to index
        %get3A_146 = arith.constant 0 : index
        %get3A_147 = tpu.vector_load %arg18[%get3A_145, %get3A_146] {strides = array<i32>} : memref<80x64xf32, #tpu.memory_space<vmem>>, vector<1x16xf32>,
        %get3A_148 = vector.shape_cast %get3A_147 : vector<1x16xf32> to vector<16xf32>
        %add3A_149 = arith.addf %add3A_144, %get3A_148 : vector<16xf32>
        %get3A_150 = arith.index_cast %scan3A_131 : i32 to index
        %get3A_151 = arith.constant 0 : index
        %get3A_152 = tpu.vector_load %arg19[%get3A_150, %get3A_151] {strides = array<i32>} : memref<80x64xf32, #tpu.memory_space<vmem>>, vector<1x16xf32>,
        %get3A_153 = vector.shape_cast %get3A_152 : vector<1x16xf32> to vector<16xf32>
        %add3A_154 = arith.addf %add3A_149, %get3A_153 : vector<16xf32>
        %get3A_155 = arith.index_cast %scan3A_131 : i32 to index
        %get3A_156 = arith.constant 0 : index
        %get3A_157 = tpu.vector_load %arg20[%get3A_155, %get3A_156] {strides = array<i32>} : memref<80x64xf32, #tpu.memory_space<vmem>>, vector<1x16xf32>,
        %get3A_158 = vector.shape_cast %get3A_157 : vector<1x16xf32> to vector<16xf32>
        %add3A_159 = arith.addf %add3A_154, %get3A_158 : vector<16xf32>
        %swap3A = arith.index_cast %scan3A_131 : i32 to index
        %swap3A_160 = arith.constant 0 : index
        %swap3A_161 = tpu.vector_load %arg23[%swap3A, %swap3A_160] {strides = array<i32>} : memref<80x64xf32, #tpu.memory_space<vmem>>, vector<1x16xf32>,
        %swap3A_162 = vector.shape_cast %swap3A_161 : vector<1x16xf32> to vector<16xf32>
        %swap3A_163 = vector.shape_cast %add3A_159 : vector<16xf32> to vector<1x16xf32>
        tpu.vector_store %arg23[%swap3A, %swap3A_160], %swap3A_163 {strides = array<i32>} : memref<80x64xf32, #tpu.memory_space<vmem>>, vector<1x16xf32>,
        %get3A_164 = arith.index_cast %scan3A_131 : i32 to index
        %get3A_165 = arith.constant 16 : index
        %get3A_166 = tpu.vector_load %arg15[%get3A_164, %get3A_165] {strides = array<i32>} : memref<80x64xf32, #tpu.memory_space<vmem>>, vector<1x16xf32>,
        %get3A_167 = vector.shape_cast %get3A_166 : vector<1x16xf32> to vector<16xf32>
        %get3A_168 = arith.index_cast %scan3A_131 : i32 to index
        %get3A_169 = arith.constant 16 : index
        %get3A_170 = tpu.vector_load %arg16[%get3A_168, %get3A_169] {strides = array<i32>} : memref<80x64xf32, #tpu.memory_space<vmem>>, vector<1x16xf32>,
        %get3A_171 = vector.shape_cast %get3A_170 : vector<1x16xf32> to vector<16xf32>
        %add3A_172 = arith.addf %get3A_167, %get3A_171 : vector<16xf32>
        %get3A_173 = arith.index_cast %scan3A_131 : i32 to index
        %get3A_174 = arith.constant 16 : index
        %get3A_175 = tpu.vector_load %arg17[%get3A_173, %get3A_174] {strides = array<i32>} : memref<80x64xf32, #tpu.memory_space<vmem>>, vector<1x16xf32>,
        %get3A_176 = vector.shape_cast %get3A_175 : vector<1x16xf32> to vector<16xf32>
        %add3A_177 = arith.addf %add3A_172, %get3A_176 : vector<16xf32>
        %get3A_178 = arith.index_cast %scan3A_131 : i32 to index
        %get3A_179 = arith.constant 16 : index
        %get3A_180 = tpu.vector_load %arg18[%get3A_178, %get3A_179] {strides = array<i32>} : memref<80x64xf32, #tpu.memory_space<vmem>>, vector<1x16xf32>,
        %get3A_181 = vector.shape_cast %get3A_180 : vector<1x16xf32> to vector<16xf32>
        %add3A_182 = arith.addf %add3A_177, %get3A_181 : vector<16xf32>
        %get3A_183 = arith.index_cast %scan3A_131 : i32 to index
        %get3A_184 = arith.constant 16 : index
        %get3A_185 = tpu.vector_load %arg19[%get3A_183, %get3A_184] {strides = array<i32>} : memref<80x64xf32, #tpu.memory_space<vmem>>, vector<1x16xf32>,
        %get3A_186 = vector.shape_cast %get3A_185 : vector<1x16xf32> to vector<16xf32>
        %add3A_187 = arith.addf %add3A_182, %get3A_186 : vector<16xf32>
        %get3A_188 = arith.index_cast %scan3A_131 : i32 to index
        %get3A_189 = arith.constant 16 : index
        %get3A_190 = tpu.vector_load %arg20[%get3A_188, %get3A_189] {strides = array<i32>} : memref<80x64xf32, #tpu.memory_space<vmem>>, vector<1x16xf32>,
        %get3A_191 = vector.shape_cast %get3A_190 : vector<1x16xf32> to vector<16xf32>
        %add3A_192 = arith.addf %add3A_187, %get3A_191 : vector<16xf32>
        %swap3A_193 = arith.index_cast %scan3A_131 : i32 to index
        %swap3A_194 = arith.constant 16 : index
        %swap3A_195 = tpu.vector_load %arg23[%swap3A_193, %swap3A_194] {strides = array<i32>} : memref<80x64xf32, #tpu.memory_space<vmem>>, vector<1x16xf32>,
        %swap3A_196 = vector.shape_cast %swap3A_195 : vector<1x16xf32> to vector<16xf32>
        %swap3A_197 = vector.shape_cast %add3A_192 : vector<16xf32> to vector<1x16xf32>
        tpu.vector_store %arg23[%swap3A_193, %swap3A_194], %swap3A_197 {strides = array<i32>} : memref<80x64xf32, #tpu.memory_space<vmem>>, vector<1x16xf32>,
        %get3A_198 = arith.index_cast %scan3A_131 : i32 to index
        %get3A_199 = arith.constant 32 : index
        %get3A_200 = tpu.vector_load %arg15[%get3A_198, %get3A_199] {strides = array<i32>} : memref<80x64xf32, #tpu.memory_space<vmem>>, vector<1x16xf32>,
        %get3A_201 = vector.shape_cast %get3A_200 : vector<1x16xf32> to vector<16xf32>
        %get3A_202 = arith.index_cast %scan3A_131 : i32 to index
        %get3A_203 = arith.constant 32 : index
        %get3A_204 = tpu.vector_load %arg16[%get3A_202, %get3A_203] {strides = array<i32>} : memref<80x64xf32, #tpu.memory_space<vmem>>, vector<1x16xf32>,
        %get3A_205 = vector.shape_cast %get3A_204 : vector<1x16xf32> to vector<16xf32>
        %add3A_206 = arith.addf %get3A_201, %get3A_205 : vector<16xf32>
        %get3A_207 = arith.index_cast %scan3A_131 : i32 to index
        %get3A_208 = arith.constant 32 : index
        %get3A_209 = tpu.vector_load %arg17[%get3A_207, %get3A_208] {strides = array<i32>} : memref<80x64xf32, #tpu.memory_space<vmem>>, vector<1x16xf32>,
        %get3A_210 = vector.shape_cast %get3A_209 : vector<1x16xf32> to vector<16xf32>
        %add3A_211 = arith.addf %add3A_206, %get3A_210 : vector<16xf32>
        %get3A_212 = arith.index_cast %scan3A_131 : i32 to index
        %get3A_213 = arith.constant 32 : index
        %get3A_214 = tpu.vector_load %arg18[%get3A_212, %get3A_213] {strides = array<i32>} : memref<80x64xf32, #tpu.memory_space<vmem>>, vector<1x16xf32>,
        %get3A_215 = vector.shape_cast %get3A_214 : vector<1x16xf32> to vector<16xf32>
        %add3A_216 = arith.addf %add3A_211, %get3A_215 : vector<16xf32>
        %get3A_217 = arith.index_cast %scan3A_131 : i32 to index
        %get3A_218 = arith.constant 32 : index
        %get3A_219 = tpu.vector_load %arg19[%get3A_217, %get3A_218] {strides = array<i32>} : memref<80x64xf32, #tpu.memory_space<vmem>>, vector<1x16xf32>,
        %get3A_220 = vector.shape_cast %get3A_219 : vector<1x16xf32> to vector<16xf32>
        %add3A_221 = arith.addf %add3A_216, %get3A_220 : vector<16xf32>
        %get3A_222 = arith.index_cast %scan3A_131 : i32 to index
        %get3A_223 = arith.constant 32 : index
        %get3A_224 = tpu.vector_load %arg20[%get3A_222, %get3A_223] {strides = array<i32>} : memref<80x64xf32, #tpu.memory_space<vmem>>, vector<1x16xf32>,
        %get3A_225 = vector.shape_cast %get3A_224 : vector<1x16xf32> to vector<16xf32>
        %add3A_226 = arith.addf %add3A_221, %get3A_225 : vector<16xf32>
        %swap3A_227 = arith.index_cast %scan3A_131 : i32 to index
        %swap3A_228 = arith.constant 32 : index
        %swap3A_229 = tpu.vector_load %arg23[%swap3A_227, %swap3A_228] {strides = array<i32>} : memref<80x64xf32, #tpu.memory_space<vmem>>, vector<1x16xf32>,
        %swap3A_230 = vector.shape_cast %swap3A_229 : vector<1x16xf32> to vector<16xf32>
        %swap3A_231 = vector.shape_cast %add3A_226 : vector<16xf32> to vector<1x16xf32>
        tpu.vector_store %arg23[%swap3A_227, %swap3A_228], %swap3A_231 {strides = array<i32>} : memref<80x64xf32, #tpu.memory_space<vmem>>, vector<1x16xf32>,
        %get3A_232 = arith.index_cast %scan3A_131 : i32 to index
        %get3A_233 = arith.constant 48 : index
        %get3A_234 = tpu.vector_load %arg15[%get3A_232, %get3A_233] {strides = array<i32>} : memref<80x64xf32, #tpu.memory_space<vmem>>, vector<1x16xf32>,
        %get3A_235 = vector.shape_cast %get3A_234 : vector<1x16xf32> to vector<16xf32>
        %get3A_236 = arith.index_cast %scan3A_131 : i32 to index
        %get3A_237 = arith.constant 48 : index
        %get3A_238 = tpu.vector_load %arg16[%get3A_236, %get3A_237] {strides = array<i32>} : memref<80x64xf32, #tpu.memory_space<vmem>>, vector<1x16xf32>,
        %get3A_239 = vector.shape_cast %get3A_238 : vector<1x16xf32> to vector<16xf32>
        %add3A_240 = arith.addf %get3A_235, %get3A_239 : vector<16xf32>
        %get3A_241 = arith.index_cast %scan3A_131 : i32 to index
        %get3A_242 = arith.constant 48 : index
        %get3A_243 = tpu.vector_load %arg17[%get3A_241, %get3A_242] {strides = array<i32>} : memref<80x64xf32, #tpu.memory_space<vmem>>, vector<1x16xf32>,
        %get3A_244 = vector.shape_cast %get3A_243 : vector<1x16xf32> to vector<16xf32>
        %add3A_245 = arith.addf %add3A_240, %get3A_244 : vector<16xf32>
        %get3A_246 = arith.index_cast %scan3A_131 : i32 to index
        %get3A_247 = arith.constant 48 : index
        %get3A_248 = tpu.vector_load %arg18[%get3A_246, %get3A_247] {strides = array<i32>} : memref<80x64xf32, #tpu.memory_space<vmem>>, vector<1x16xf32>,
        %get3A_249 = vector.shape_cast %get3A_248 : vector<1x16xf32> to vector<16xf32>
        %add3A_250 = arith.addf %add3A_245, %get3A_249 : vector<16xf32>
        %get3A_251 = arith.index_cast %scan3A_131 : i32 to index
        %get3A_252 = arith.constant 48 : index
        %get3A_253 = tpu.vector_load %arg19[%get3A_251, %get3A_252] {strides = array<i32>} : memref<80x64xf32, #tpu.memory_space<vmem>>, vector<1x16xf32>,
        %get3A_254 = vector.shape_cast %get3A_253 : vector<1x16xf32> to vector<16xf32>
        %add3A_255 = arith.addf %add3A_250, %get3A_254 : vector<16xf32>
        %get3A_256 = arith.index_cast %scan3A_131 : i32 to index
        %get3A_257 = arith.constant 48 : index
        %get3A_258 = tpu.vector_load %arg20[%get3A_256, %get3A_257] {strides = array<i32>} : memref<80x64xf32, #tpu.memory_space<vmem>>, vector<1x16xf32>,
        %get3A_259 = vector.shape_cast %get3A_258 : vector<1x16xf32> to vector<16xf32>
        %add3A_260 = arith.addf %add3A_255, %get3A_259 : vector<16xf32>
        %swap3A_261 = arith.index_cast %scan3A_131 : i32 to index
        %swap3A_262 = arith.constant 48 : index
        %swap3A_263 = tpu.vector_load %arg23[%swap3A_261, %swap3A_262] {strides = array<i32>} : memref<80x64xf32, #tpu.memory_space<vmem>>, vector<1x16xf32>,
        %swap3A_264 = vector.shape_cast %swap3A_263 : vector<1x16xf32> to vector<16xf32>
        %swap3A_265 = vector.shape_cast %add3A_260 : vector<16xf32> to vector<1x16xf32>
        tpu.vector_store %arg23[%swap3A_261, %swap3A_262], %swap3A_265 {strides = array<i32>} : memref<80x64xf32, #tpu.memory_space<vmem>>, vector<1x16xf32>,
      }
      %scan3A_130 = arith.constant 80 : i32
      "tpu.region"() ({
        %run_scoped3A = tpu.sem_alloc : memref<!tpu.dma_semaphore, #tpu.memory_space<semaphore_mem>>
        %dma_start3A_131 = arith.constant 0 : i32
        %dma_start3A_132 = tpu.memref_slice %arg11[%add3A_14, %dma_start3A_131] : memref<51200x64xf32, #tpu.memory_space<hbm>> -> memref<80x64xf32, #tpu.memory_space<hbm>>
        %dma_start3A_133 = arith.constant 0 : i32
        %dma_start3A_134 = tpu.memref_slice %arg11[%add3A_14, %dma_start3A_133] : memref<51200x64xf32, #tpu.memory_space<hbm>> -> memref<80x64xf32, #tpu.memory_space<hbm>>
        tpu.enqueue_dma source(%arg23 : memref<80x64xf32, #tpu.memory_space<vmem>>) target(%dma_start3A_134 : memref<80x64xf32, #tpu.memory_space<hbm>>) target_semaphore(%run_scoped3A : memref<!tpu.dma_semaphore, #tpu.memory_space<semaphore_mem>>)
        %dma_wait3A_135 = arith.constant 0 : i32
        %dma_wait3A_136 = tpu.memref_slice %arg11[%add3A_14, %dma_wait3A_135] : memref<51200x64xf32, #tpu.memory_space<hbm>> -> memref<80x64xf32, #tpu.memory_space<hbm>>
        %dma_wait3A_137 = arith.constant 0 : i32
        %dma_wait3A_138 = tpu.memref_slice %arg11[%add3A_14, %dma_wait3A_137] : memref<51200x64xf32, #tpu.memory_space<hbm>> -> memref<80x64xf32, #tpu.memory_space<hbm>>
        tpu.wait_dma2 semaphore(%run_scoped3A : memref<!tpu.dma_semaphore, #tpu.memory_space<semaphore_mem>>) src(%arg23 : memref<80x64xf32, #tpu.memory_space<vmem>>) dst(%dma_wait3A_138 : memref<80x64xf32, #tpu.memory_space<hbm>>)
        tpu.yield
      }) : () -> ()
      "tpu.region"() ({
        %run_scoped3A = tpu.sem_alloc : memref<!tpu.dma_semaphore, #tpu.memory_space<semaphore_mem>>
        %dma_start3A_131 = arith.constant 0 : i32
        %dma_start3A_132 = tpu.memref_slice %arg12[%add3A_14, %dma_start3A_131] : memref<51200x128xf32, #tpu.memory_space<hbm>> -> memref<80x128xf32, #tpu.memory_space<hbm>>
        %dma_start3A_133 = arith.constant 0 : i32
        %dma_start3A_134 = tpu.memref_slice %arg12[%add3A_14, %dma_start3A_133] : memref<51200x128xf32, #tpu.memory_space<hbm>> -> memref<80x128xf32, #tpu.memory_space<hbm>>
        tpu.enqueue_dma source(%arg21 : memref<80x128xf32, #tpu.memory_space<vmem>>) target(%dma_start3A_134 : memref<80x128xf32, #tpu.memory_space<hbm>>) target_semaphore(%run_scoped3A : memref<!tpu.dma_semaphore, #tpu.memory_space<semaphore_mem>>)
        %dma_wait3A_135 = arith.constant 0 : i32
        %dma_wait3A_136 = tpu.memref_slice %arg12[%add3A_14, %dma_wait3A_135] : memref<51200x128xf32, #tpu.memory_space<hbm>> -> memref<80x128xf32, #tpu.memory_space<hbm>>
        %dma_wait3A_137 = arith.constant 0 : i32
        %dma_wait3A_138 = tpu.memref_slice %arg12[%add3A_14, %dma_wait3A_137] : memref<51200x128xf32, #tpu.memory_space<hbm>> -> memref<80x128xf32, #tpu.memory_space<hbm>>
        tpu.wait_dma2 semaphore(%run_scoped3A : memref<!tpu.dma_semaphore, #tpu.memory_space<semaphore_mem>>) src(%arg21 : memref<80x128xf32, #tpu.memory_space<vmem>>) dst(%dma_wait3A_138 : memref<80x128xf32, #tpu.memory_space<hbm>>)
        tpu.yield
      }) : () -> ()
      "tpu.region"() ({
        %run_scoped3A = tpu.sem_alloc : memref<!tpu.dma_semaphore, #tpu.memory_space<semaphore_mem>>
        %dma_start3A_131 = arith.constant 0 : i32
        %dma_start3A_132 = tpu.memref_slice %arg13[%add3A_14, %dma_start3A_131] : memref<51200x128xf32, #tpu.memory_space<hbm>> -> memref<80x128xf32, #tpu.memory_space<hbm>>
        %dma_start3A_133 = arith.constant 0 : i32
        %dma_start3A_134 = tpu.memref_slice %arg13[%add3A_14, %dma_start3A_133] : memref<51200x128xf32, #tpu.memory_space<hbm>> -> memref<80x128xf32, #tpu.memory_space<hbm>>
        tpu.enqueue_dma source(%arg22 : memref<80x128xf32, #tpu.memory_space<vmem>>) target(%dma_start3A_134 : memref<80x128xf32, #tpu.memory_space<hbm>>) target_semaphore(%run_scoped3A : memref<!tpu.dma_semaphore, #tpu.memory_space<semaphore_mem>>)
        %dma_wait3A_135 = arith.constant 0 : i32
        %dma_wait3A_136 = tpu.memref_slice %arg13[%add3A_14, %dma_wait3A_135] : memref<51200x128xf32, #tpu.memory_space<hbm>> -> memref<80x128xf32, #tpu.memory_space<hbm>>
        %dma_wait3A_137 = arith.constant 0 : i32
        %dma_wait3A_138 = tpu.memref_slice %arg13[%add3A_14, %dma_wait3A_137] : memref<51200x128xf32, #tpu.memory_space<hbm>> -> memref<80x128xf32, #tpu.memory_space<hbm>>
        tpu.wait_dma2 semaphore(%run_scoped3A : memref<!tpu.dma_semaphore, #tpu.memory_space<semaphore_mem>>) src(%arg22 : memref<80x128xf32, #tpu.memory_space<vmem>>) dst(%dma_wait3A_138 : memref<80x128xf32, #tpu.memory_space<hbm>>)
        tpu.yield
      }) : () -> ()
    }
    %scan3A_5 = arith.constant 20 : i32
    return
  }
}

module attributes {stable_mosaic.version = 14 : i64} {
  func.func @_prep_body(%arg0: memref<1539x21xf32, #tpu.memory_space<vmem>>, %arg1: memref<914x21xf32, #tpu.memory_space<vmem>>, %arg2: memref<9456x21xf32, #tpu.memory_space<vmem>>, %arg3: memref<1001x115xf32, #tpu.memory_space<vmem>>, %arg4: memref<1001x100xf32, #tpu.memory_space<vmem>>, %arg5: memref<3x21xf32, #tpu.memory_space<vmem>>, %arg6: memref<3x10xf32, #tpu.memory_space<vmem>>, %arg7: memref<3x10xf32, #tpu.memory_space<vmem>>, %arg8: memref<3x10xf32, #tpu.memory_space<vmem>>, %arg9: memref<3x10xf32, #tpu.memory_space<vmem>>, %arg10: memref<3x10xf32, #tpu.memory_space<vmem>>, %arg11: memref<3x10xf32, #tpu.memory_space<vmem>>, %arg12: memref<3x10xf32, #tpu.memory_space<vmem>>, %arg13: memref<3x10xf32, #tpu.memory_space<vmem>>, %arg14: memref<3x10xf32, #tpu.memory_space<vmem>>, %arg15: memref<7x16xf32, #tpu.memory_space<vmem>>, %arg16: memref<64x656xf32, #tpu.memory_space<vmem>>, %arg17: memref<1539x64xf32, #tpu.memory_space<vmem>>, %arg18: memref<914x64xf32, #tpu.memory_space<vmem>>, %arg19: memref<9456x64xf32, #tpu.memory_space<vmem>>, %arg20: memref<1001x64xf32, #tpu.memory_space<vmem>>, %arg21: memref<1001x64xf32, #tpu.memory_space<vmem>>, %arg22: memref<1001x64xf32, #tpu.memory_space<vmem>>, %arg23: memref<37x64xf32, #tpu.memory_space<vmem>>) attributes {dimension_semantics = [], scalar_prefetch = 0 : i64, scratch_operands = 0 : i64, tpu.core_type = #tpu.core_type<tc>} {
    %get3A = arith.constant 0 : index
    %get3A_0 = arith.constant 0 : index
    %get3A_1 = vector.load %arg16[%get3A, %get3A_0] : memref<64x656xf32, #tpu.memory_space<vmem>>, vector<64x656xf32>
    %get3A_2 = arith.constant 0 : index
    %get3A_3 = arith.constant 0 : index
    %get3A_4 = vector.load %arg0[%get3A_2, %get3A_3] : memref<1539x21xf32, #tpu.memory_space<vmem>>, vector<1539x21xf32>
    %slice3A = vector.extract_strided_slice %get3A_1 {offsets = [0, 0], sizes = [64, 21], strides = [1, 1]} : vector<64x656xf32> to vector<64x21xf32>
    %dot_general3A = arith.constant dense<0.000000e+00> : vector<1539x64xf32>
    %dot_general3A_5 = tpu.matmul %get3A_4, %slice3A, %dot_general3A {dimension_numbers = #tpu.dot_dimension_numbers<[1], [1], [0], [0], [0, 0, 1, 0], [], []>, precision = #tpu.contract_precision<fp32>, transpose_lhs_hint = false} : vector<1539x21xf32>, vector<64x21xf32>, vector<1539x64xf32> -> vector<1539x64xf32>
    %swap3A = arith.constant 0 : index
    %swap3A_6 = arith.constant 0 : index
    %swap3A_7 = vector.load %arg17[%swap3A, %swap3A_6] : memref<1539x64xf32, #tpu.memory_space<vmem>>, vector<1539x64xf32>
    tpu.vector_store %arg17[%swap3A, %swap3A_6], %dot_general3A_5 {strides = array<i32>} : memref<1539x64xf32, #tpu.memory_space<vmem>>, vector<1539x64xf32>,
    %get3A_8 = arith.constant 0 : index
    %get3A_9 = arith.constant 0 : index
    %get3A_10 = vector.load %arg1[%get3A_8, %get3A_9] : memref<914x21xf32, #tpu.memory_space<vmem>>, vector<914x21xf32>
    %slice3A_11 = vector.extract_strided_slice %get3A_1 {offsets = [0, 21], sizes = [64, 21], strides = [1, 1]} : vector<64x656xf32> to vector<64x21xf32>
    %dot_general3A_12 = arith.constant dense<0.000000e+00> : vector<914x64xf32>
    %dot_general3A_13 = tpu.matmul %get3A_10, %slice3A_11, %dot_general3A_12 {dimension_numbers = #tpu.dot_dimension_numbers<[1], [1], [0], [0], [0, 0, 1, 0], [], []>, precision = #tpu.contract_precision<fp32>, transpose_lhs_hint = false} : vector<914x21xf32>, vector<64x21xf32>, vector<914x64xf32> -> vector<914x64xf32>
    %swap3A_14 = arith.constant 0 : index
    %swap3A_15 = arith.constant 0 : index
    %swap3A_16 = vector.load %arg18[%swap3A_14, %swap3A_15] : memref<914x64xf32, #tpu.memory_space<vmem>>, vector<914x64xf32>
    tpu.vector_store %arg18[%swap3A_14, %swap3A_15], %dot_general3A_13 {strides = array<i32>} : memref<914x64xf32, #tpu.memory_space<vmem>>, vector<914x64xf32>,
    %get3A_17 = arith.constant 0 : index
    %get3A_18 = arith.constant 0 : index
    %get3A_19 = vector.load %arg2[%get3A_17, %get3A_18] : memref<9456x21xf32, #tpu.memory_space<vmem>>, vector<9456x21xf32>
    %slice3A_20 = vector.extract_strided_slice %get3A_1 {offsets = [0, 42], sizes = [64, 21], strides = [1, 1]} : vector<64x656xf32> to vector<64x21xf32>
    %dot_general3A_21 = arith.constant dense<0.000000e+00> : vector<9456x64xf32>
    %dot_general3A_22 = tpu.matmul %get3A_19, %slice3A_20, %dot_general3A_21 {dimension_numbers = #tpu.dot_dimension_numbers<[1], [1], [0], [0], [0, 0, 1, 0], [], []>, precision = #tpu.contract_precision<fp32>, transpose_lhs_hint = false} : vector<9456x21xf32>, vector<64x21xf32>, vector<9456x64xf32> -> vector<9456x64xf32>
    %swap3A_23 = arith.constant 0 : index
    %swap3A_24 = arith.constant 0 : index
    %swap3A_25 = vector.load %arg19[%swap3A_23, %swap3A_24] : memref<9456x64xf32, #tpu.memory_space<vmem>>, vector<9456x64xf32>
    tpu.vector_store %arg19[%swap3A_23, %swap3A_24], %dot_general3A_22 {strides = array<i32>} : memref<9456x64xf32, #tpu.memory_space<vmem>>, vector<9456x64xf32>,
    %get3A_26 = arith.constant 0 : index
    %get3A_27 = arith.constant 0 : index
    %get3A_28 = vector.load %arg3[%get3A_26, %get3A_27] : memref<1001x115xf32, #tpu.memory_space<vmem>>, vector<1001x115xf32>
    %slice3A_29 = vector.extract_strided_slice %get3A_1 {offsets = [0, 85], sizes = [64, 115], strides = [1, 1]} : vector<64x656xf32> to vector<64x115xf32>
    %dot_general3A_30 = arith.constant dense<0.000000e+00> : vector<1001x64xf32>
    %dot_general3A_31 = tpu.matmul %get3A_28, %slice3A_29, %dot_general3A_30 {dimension_numbers = #tpu.dot_dimension_numbers<[1], [1], [0], [0], [0, 0, 1, 0], [], []>, precision = #tpu.contract_precision<fp32>, transpose_lhs_hint = false} : vector<1001x115xf32>, vector<64x115xf32>, vector<1001x64xf32> -> vector<1001x64xf32>
    %swap3A_32 = arith.constant 0 : index
    %swap3A_33 = arith.constant 0 : index
    %swap3A_34 = vector.load %arg20[%swap3A_32, %swap3A_33] : memref<1001x64xf32, #tpu.memory_space<vmem>>, vector<1001x64xf32>
    tpu.vector_store %arg20[%swap3A_32, %swap3A_33], %dot_general3A_31 {strides = array<i32>} : memref<1001x64xf32, #tpu.memory_space<vmem>>, vector<1001x64xf32>,
    %get3A_35 = arith.constant 0 : index
    %get3A_36 = arith.constant 0 : index
    %get3A_37 = vector.load %arg3[%get3A_35, %get3A_36] : memref<1001x115xf32, #tpu.memory_space<vmem>>, vector<1001x115xf32>
    %slice3A_38 = vector.extract_strided_slice %get3A_1 {offsets = [0, 200], sizes = [64, 115], strides = [1, 1]} : vector<64x656xf32> to vector<64x115xf32>
    %dot_general3A_39 = arith.constant dense<0.000000e+00> : vector<1001x64xf32>
    %dot_general3A_40 = tpu.matmul %get3A_37, %slice3A_38, %dot_general3A_39 {dimension_numbers = #tpu.dot_dimension_numbers<[1], [1], [0], [0], [0, 0, 1, 0], [], []>, precision = #tpu.contract_precision<fp32>, transpose_lhs_hint = false} : vector<1001x115xf32>, vector<64x115xf32>, vector<1001x64xf32> -> vector<1001x64xf32>
    %swap3A_41 = arith.constant 0 : index
    %swap3A_42 = arith.constant 0 : index
    %swap3A_43 = vector.load %arg21[%swap3A_41, %swap3A_42] : memref<1001x64xf32, #tpu.memory_space<vmem>>, vector<1001x64xf32>
    tpu.vector_store %arg21[%swap3A_41, %swap3A_42], %dot_general3A_40 {strides = array<i32>} : memref<1001x64xf32, #tpu.memory_space<vmem>>, vector<1001x64xf32>,
    %get3A_44 = arith.constant 0 : index
    %get3A_45 = arith.constant 0 : index
    %get3A_46 = vector.load %arg4[%get3A_44, %get3A_45] : memref<1001x100xf32, #tpu.memory_space<vmem>>, vector<1001x100xf32>
    %slice3A_47 = vector.extract_strided_slice %get3A_1 {offsets = [0, 315], sizes = [64, 100], strides = [1, 1]} : vector<64x656xf32> to vector<64x100xf32>
    %dot_general3A_48 = arith.constant dense<0.000000e+00> : vector<1001x64xf32>
    %dot_general3A_49 = tpu.matmul %get3A_46, %slice3A_47, %dot_general3A_48 {dimension_numbers = #tpu.dot_dimension_numbers<[1], [1], [0], [0], [0, 0, 1, 0], [], []>, precision = #tpu.contract_precision<fp32>, transpose_lhs_hint = false} : vector<1001x100xf32>, vector<64x100xf32>, vector<1001x64xf32> -> vector<1001x64xf32>
    %swap3A_50 = arith.constant 0 : index
    %swap3A_51 = arith.constant 0 : index
    %swap3A_52 = vector.load %arg22[%swap3A_50, %swap3A_51] : memref<1001x64xf32, #tpu.memory_space<vmem>>, vector<1001x64xf32>
    tpu.vector_store %arg22[%swap3A_50, %swap3A_51], %dot_general3A_49 {strides = array<i32>} : memref<1001x64xf32, #tpu.memory_space<vmem>>, vector<1001x64xf32>,
    %get3A_53 = arith.constant 0 : index
    %get3A_54 = arith.constant 0 : index
    %get3A_55 = vector.load %arg5[%get3A_53, %get3A_54] : memref<3x21xf32, #tpu.memory_space<vmem>>, vector<3x21xf32>
    %slice3A_56 = vector.extract_strided_slice %get3A_1 {offsets = [0, 63], sizes = [64, 21], strides = [1, 1]} : vector<64x656xf32> to vector<64x21xf32>
    %dot_general3A_57 = arith.constant dense<0.000000e+00> : vector<3x64xf32>
    %dot_general3A_58 = tpu.matmul %get3A_55, %slice3A_56, %dot_general3A_57 {dimension_numbers = #tpu.dot_dimension_numbers<[1], [1], [0], [0], [0, 0, 1, 0], [], []>, precision = #tpu.contract_precision<fp32>, transpose_lhs_hint = false} : vector<3x21xf32>, vector<64x21xf32>, vector<3x64xf32> -> vector<3x64xf32>
    %get3A_59 = arith.constant 0 : index
    %get3A_60 = arith.constant 0 : index
    %get3A_61 = vector.load %arg6[%get3A_59, %get3A_60] : memref<3x10xf32, #tpu.memory_space<vmem>>, vector<3x10xf32>
    %slice3A_62 = vector.extract_strided_slice %get3A_1 {offsets = [0, 525], sizes = [64, 10], strides = [1, 1]} : vector<64x656xf32> to vector<64x10xf32>
    %dot_general3A_63 = arith.constant dense<0.000000e+00> : vector<3x64xf32>
    %dot_general3A_64 = tpu.matmul %get3A_61, %slice3A_62, %dot_general3A_63 {dimension_numbers = #tpu.dot_dimension_numbers<[1], [1], [0], [0], [0, 0, 1, 0], [], []>, precision = #tpu.contract_precision<fp32>, transpose_lhs_hint = false} : vector<3x10xf32>, vector<64x10xf32>, vector<3x64xf32> -> vector<3x64xf32>
    %get3A_65 = arith.constant 0 : index
    %get3A_66 = arith.constant 0 : index
    %get3A_67 = vector.load %arg7[%get3A_65, %get3A_66] : memref<3x10xf32, #tpu.memory_space<vmem>>, vector<3x10xf32>
    %slice3A_68 = vector.extract_strided_slice %get3A_1 {offsets = [0, 535], sizes = [64, 10], strides = [1, 1]} : vector<64x656xf32> to vector<64x10xf32>
    %dot_general3A_69 = arith.constant dense<0.000000e+00> : vector<3x64xf32>
    %dot_general3A_70 = tpu.matmul %get3A_67, %slice3A_68, %dot_general3A_69 {dimension_numbers = #tpu.dot_dimension_numbers<[1], [1], [0], [0], [0, 0, 1, 0], [], []>, precision = #tpu.contract_precision<fp32>, transpose_lhs_hint = false} : vector<3x10xf32>, vector<64x10xf32>, vector<3x64xf32> -> vector<3x64xf32>
    %get3A_71 = arith.constant 0 : index
    %get3A_72 = arith.constant 0 : index
    %get3A_73 = vector.load %arg8[%get3A_71, %get3A_72] : memref<3x10xf32, #tpu.memory_space<vmem>>, vector<3x10xf32>
    %slice3A_74 = vector.extract_strided_slice %get3A_1 {offsets = [0, 545], sizes = [64, 10], strides = [1, 1]} : vector<64x656xf32> to vector<64x10xf32>
    %dot_general3A_75 = arith.constant dense<0.000000e+00> : vector<3x64xf32>
    %dot_general3A_76 = tpu.matmul %get3A_73, %slice3A_74, %dot_general3A_75 {dimension_numbers = #tpu.dot_dimension_numbers<[1], [1], [0], [0], [0, 0, 1, 0], [], []>, precision = #tpu.contract_precision<fp32>, transpose_lhs_hint = false} : vector<3x10xf32>, vector<64x10xf32>, vector<3x64xf32> -> vector<3x64xf32>
    %get3A_77 = arith.constant 0 : index
    %get3A_78 = arith.constant 0 : index
    %get3A_79 = vector.load %arg9[%get3A_77, %get3A_78] : memref<3x10xf32, #tpu.memory_space<vmem>>, vector<3x10xf32>
    %slice3A_80 = vector.extract_strided_slice %get3A_1 {offsets = [0, 555], sizes = [64, 10], strides = [1, 1]} : vector<64x656xf32> to vector<64x10xf32>
    %dot_general3A_81 = arith.constant dense<0.000000e+00> : vector<3x64xf32>
    %dot_general3A_82 = tpu.matmul %get3A_79, %slice3A_80, %dot_general3A_81 {dimension_numbers = #tpu.dot_dimension_numbers<[1], [1], [0], [0], [0, 0, 1, 0], [], []>, precision = #tpu.contract_precision<fp32>, transpose_lhs_hint = false} : vector<3x10xf32>, vector<64x10xf32>, vector<3x64xf32> -> vector<3x64xf32>
    %get3A_83 = arith.constant 0 : index
    %get3A_84 = arith.constant 0 : index
    %get3A_85 = vector.load %arg10[%get3A_83, %get3A_84] : memref<3x10xf32, #tpu.memory_space<vmem>>, vector<3x10xf32>
    %slice3A_86 = vector.extract_strided_slice %get3A_1 {offsets = [0, 565], sizes = [64, 10], strides = [1, 1]} : vector<64x656xf32> to vector<64x10xf32>
    %dot_general3A_87 = arith.constant dense<0.000000e+00> : vector<3x64xf32>
    %dot_general3A_88 = tpu.matmul %get3A_85, %slice3A_86, %dot_general3A_87 {dimension_numbers = #tpu.dot_dimension_numbers<[1], [1], [0], [0], [0, 0, 1, 0], [], []>, precision = #tpu.contract_precision<fp32>, transpose_lhs_hint = false} : vector<3x10xf32>, vector<64x10xf32>, vector<3x64xf32> -> vector<3x64xf32>
    %get3A_89 = arith.constant 0 : index
    %get3A_90 = arith.constant 0 : index
    %get3A_91 = vector.load %arg11[%get3A_89, %get3A_90] : memref<3x10xf32, #tpu.memory_space<vmem>>, vector<3x10xf32>
    %slice3A_92 = vector.extract_strided_slice %get3A_1 {offsets = [0, 575], sizes = [64, 10], strides = [1, 1]} : vector<64x656xf32> to vector<64x10xf32>
    %dot_general3A_93 = arith.constant dense<0.000000e+00> : vector<3x64xf32>
    %dot_general3A_94 = tpu.matmul %get3A_91, %slice3A_92, %dot_general3A_93 {dimension_numbers = #tpu.dot_dimension_numbers<[1], [1], [0], [0], [0, 0, 1, 0], [], []>, precision = #tpu.contract_precision<fp32>, transpose_lhs_hint = false} : vector<3x10xf32>, vector<64x10xf32>, vector<3x64xf32> -> vector<3x64xf32>
    %get3A_95 = arith.constant 0 : index
    %get3A_96 = arith.constant 0 : index
    %get3A_97 = vector.load %arg12[%get3A_95, %get3A_96] : memref<3x10xf32, #tpu.memory_space<vmem>>, vector<3x10xf32>
    %slice3A_98 = vector.extract_strided_slice %get3A_1 {offsets = [0, 585], sizes = [64, 10], strides = [1, 1]} : vector<64x656xf32> to vector<64x10xf32>
    %dot_general3A_99 = arith.constant dense<0.000000e+00> : vector<3x64xf32>
    %dot_general3A_100 = tpu.matmul %get3A_97, %slice3A_98, %dot_general3A_99 {dimension_numbers = #tpu.dot_dimension_numbers<[1], [1], [0], [0], [0, 0, 1, 0], [], []>, precision = #tpu.contract_precision<fp32>, transpose_lhs_hint = false} : vector<3x10xf32>, vector<64x10xf32>, vector<3x64xf32> -> vector<3x64xf32>
    %get3A_101 = arith.constant 0 : index
    %get3A_102 = arith.constant 0 : index
    %get3A_103 = vector.load %arg13[%get3A_101, %get3A_102] : memref<3x10xf32, #tpu.memory_space<vmem>>, vector<3x10xf32>
    %slice3A_104 = vector.extract_strided_slice %get3A_1 {offsets = [0, 595], sizes = [64, 10], strides = [1, 1]} : vector<64x656xf32> to vector<64x10xf32>
    %dot_general3A_105 = arith.constant dense<0.000000e+00> : vector<3x64xf32>
    %dot_general3A_106 = tpu.matmul %get3A_103, %slice3A_104, %dot_general3A_105 {dimension_numbers = #tpu.dot_dimension_numbers<[1], [1], [0], [0], [0, 0, 1, 0], [], []>, precision = #tpu.contract_precision<fp32>, transpose_lhs_hint = false} : vector<3x10xf32>, vector<64x10xf32>, vector<3x64xf32> -> vector<3x64xf32>
    %get3A_107 = arith.constant 0 : index
    %get3A_108 = arith.constant 0 : index
    %get3A_109 = vector.load %arg14[%get3A_107, %get3A_108] : memref<3x10xf32, #tpu.memory_space<vmem>>, vector<3x10xf32>
    %slice3A_110 = vector.extract_strided_slice %get3A_1 {offsets = [0, 605], sizes = [64, 10], strides = [1, 1]} : vector<64x656xf32> to vector<64x10xf32>
    %dot_general3A_111 = arith.constant dense<0.000000e+00> : vector<3x64xf32>
    %dot_general3A_112 = tpu.matmul %get3A_109, %slice3A_110, %dot_general3A_111 {dimension_numbers = #tpu.dot_dimension_numbers<[1], [1], [0], [0], [0, 0, 1, 0], [], []>, precision = #tpu.contract_precision<fp32>, transpose_lhs_hint = false} : vector<3x10xf32>, vector<64x10xf32>, vector<3x64xf32> -> vector<3x64xf32>
    %get3A_113 = arith.constant 0 : index
    %get3A_114 = arith.constant 0 : index
    %get3A_115 = vector.load %arg15[%get3A_113, %get3A_114] : memref<7x16xf32, #tpu.memory_space<vmem>>, vector<7x16xf32>
    %slice3A_116 = vector.extract_strided_slice %get3A_1 {offsets = [0, 615], sizes = [64, 16], strides = [1, 1]} : vector<64x656xf32> to vector<64x16xf32>
    %dot_general3A_117 = arith.constant dense<0.000000e+00> : vector<7x64xf32>
    %dot_general3A_118 = tpu.matmul %get3A_115, %slice3A_116, %dot_general3A_117 {dimension_numbers = #tpu.dot_dimension_numbers<[1], [1], [0], [0], [0, 0, 1, 0], [], []>, precision = #tpu.contract_precision<fp32>, transpose_lhs_hint = false} : vector<7x16xf32>, vector<64x16xf32>, vector<7x64xf32> -> vector<7x64xf32>
    %concatenate3A = tpu.concatenate %dot_general3A_58, %dot_general3A_64, %dot_general3A_70, %dot_general3A_76, %dot_general3A_82, %dot_general3A_88, %dot_general3A_94, %dot_general3A_100, %dot_general3A_106, %dot_general3A_112, %dot_general3A_118 in 0 : vector<3x64xf32>, vector<3x64xf32>, vector<3x64xf32>, vector<3x64xf32>, vector<3x64xf32>, vector<3x64xf32>, vector<3x64xf32>, vector<3x64xf32>, vector<3x64xf32>, vector<3x64xf32>, vector<7x64xf32> -> vector<37x64xf32>
    %swap3A_119 = arith.constant 0 : index
    %swap3A_120 = arith.constant 0 : index
    %swap3A_121 = vector.load %arg23[%swap3A_119, %swap3A_120] : memref<37x64xf32, #tpu.memory_space<vmem>>, vector<37x64xf32>
    tpu.vector_store %arg23[%swap3A_119, %swap3A_120], %concatenate3A {strides = array<i32>} : memref<37x64xf32, #tpu.memory_space<vmem>>, vector<37x64xf32>,
    return
  }
}

module attributes {stable_mosaic.version = 14 : i64} {
  func.func @_repack_body(%arg0: i32, %arg1: memref<4096x50xf32, #tpu.memory_space<vmem>>, %arg2: memref<4096x128xf32, #tpu.memory_space<vmem>>) attributes {dimension_semantics = [#tpu.dimension_semantics<arbitrary>], iteration_bounds = array<i64: 223>, scalar_prefetch = 0 : i64, scratch_operands = 0 : i64, tpu.core_type = #tpu.core_type<tc>, window_params = [{transform_indices = @transform_0, window_bounds = array<i64: 4096, 50>}, {transform_indices = @transform_1, window_bounds = array<i64: 4096, 128>}]} {
    %get3A = arith.constant 0 : index
    %get3A_0 = arith.constant 0 : index
    %get3A_1 = vector.load %arg1[%get3A, %get3A_0] : memref<4096x50xf32, #tpu.memory_space<vmem>>, vector<4096x50xf32>
    %broadcast_in_dim3A = arith.constant 0.000000e+00 : f32
    %broadcast_in_dim3A_2 = vector.broadcast %broadcast_in_dim3A : f32 to vector<4096x78xf32>
    %concatenate3A = tpu.concatenate %get3A_1, %broadcast_in_dim3A_2 in 1 : vector<4096x50xf32>, vector<4096x78xf32> -> vector<4096x128xf32>
    %swap3A = arith.constant 0 : index
    %swap3A_3 = arith.constant 0 : index
    %swap3A_4 = vector.load %arg2[%swap3A, %swap3A_3] : memref<4096x128xf32, #tpu.memory_space<vmem>>, vector<4096x128xf32>
    tpu.vector_store %arg2[%swap3A, %swap3A_3], %concatenate3A {strides = array<i32>} : memref<4096x128xf32, #tpu.memory_space<vmem>>, vector<4096x128xf32>,
    return
  }
  func.func @transform_0(%arg0: i32) -> (i32, i32) {
    %c0_i32 = arith.constant 0 : i32
    %c0_i32_0 = arith.constant 0 : i32
    return %arg0, %c0_i32 : i32, i32
  }
  func.func @transform_1(%arg0: i32) -> (i32, i32) {
    %c0_i32 = arith.constant 0 : i32
    %c0_i32_0 = arith.constant 0 : i32
    return %arg0, %c0_i32 : i32, i32
  }
}

module attributes {stable_mosaic.version = 14 : i64} {
  func.func @_final_body(%arg0: i32, %arg1: memref<2048x64xf32, #tpu.memory_space<vmem>>, %arg2: memref<2048x128xf32, #tpu.memory_space<vmem>>, %arg3: memref<2048x128xf32, #tpu.memory_space<vmem>>, %arg4: memref<2048x36xf32, #tpu.memory_space<vmem>>, %arg5: memref<2048x11xi32, #tpu.memory_space<vmem>>, %arg6: memref<64x656xf32, #tpu.memory_space<vmem>>, %arg7: memref<37x64xf32, #tpu.memory_space<vmem>>, %arg8: memref<1x64xf32, #tpu.memory_space<vmem>>, %arg9: memref<2048x64xf32, #tpu.memory_space<vmem>>) attributes {dimension_semantics = [#tpu.dimension_semantics<arbitrary>], iteration_bounds = array<i64: 25>, scalar_prefetch = 0 : i64, scratch_operands = 0 : i64, tpu.core_type = #tpu.core_type<tc>, window_params = [{transform_indices = @transform_0, window_bounds = array<i64: 2048, 64>}, {transform_indices = @transform_1, window_bounds = array<i64: 2048, 128>}, {transform_indices = @transform_2, window_bounds = array<i64: 2048, 128>}, {transform_indices = @transform_3, window_bounds = array<i64: 2048, 36>}, {transform_indices = @transform_4, window_bounds = array<i64: 2048, 11>}, {pipeline_mode = #tpu.pipeline_mode<synchronous>, transform_indices = @transform_5, window_bounds = array<i64: 64, 656>}, {pipeline_mode = #tpu.pipeline_mode<synchronous>, transform_indices = @transform_6, window_bounds = array<i64: 37, 64>}, {pipeline_mode = #tpu.pipeline_mode<synchronous>, transform_indices = @transform_7, window_bounds = array<i64: 1, 64>}, {transform_indices = @transform_8, window_bounds = array<i64: 2048, 64>}]} {
    %get3A = arith.constant 0 : index
    %get3A_0 = arith.constant 0 : index
    %get3A_1 = vector.load %arg6[%get3A, %get3A_0] : memref<64x656xf32, #tpu.memory_space<vmem>>, vector<64x656xf32>
    %get3A_2 = arith.constant 0 : index
    %get3A_3 = arith.constant 0 : index
    %get3A_4 = vector.load %arg1[%get3A_2, %get3A_3] : memref<2048x64xf32, #tpu.memory_space<vmem>>, vector<2048x64xf32>
    %get3A_5 = arith.constant 0 : index
    %get3A_6 = arith.constant 0 : index
    %get3A_7 = vector.load %arg2[%get3A_5, %get3A_6] : memref<2048x128xf32, #tpu.memory_space<vmem>>, vector<2048x128xf32>
    %slice3A = vector.extract_strided_slice %get3A_7 {offsets = [0, 0], sizes = [2048, 50], strides = [1, 1]} : vector<2048x128xf32> to vector<2048x50xf32>
    %slice3A_8 = vector.extract_strided_slice %get3A_1 {offsets = [0, 424], sizes = [64, 50], strides = [1, 1]} : vector<64x656xf32> to vector<64x50xf32>
    %dot_general3A = arith.constant dense<0.000000e+00> : vector<2048x64xf32>
    %dot_general3A_9 = tpu.matmul %slice3A, %slice3A_8, %dot_general3A {dimension_numbers = #tpu.dot_dimension_numbers<[1], [1], [0], [0], [0, 0, 1, 0], [], []>, precision = #tpu.contract_precision<fp32>, transpose_lhs_hint = false} : vector<2048x50xf32>, vector<64x50xf32>, vector<2048x64xf32> -> vector<2048x64xf32>
    %add3A = arith.addf %get3A_4, %dot_general3A_9 : vector<2048x64xf32>
    %get3A_10 = arith.constant 0 : index
    %get3A_11 = arith.constant 0 : index
    %get3A_12 = vector.load %arg3[%get3A_10, %get3A_11] : memref<2048x128xf32, #tpu.memory_space<vmem>>, vector<2048x128xf32>
    %slice3A_13 = vector.extract_strided_slice %get3A_12 {offsets = [0, 0], sizes = [2048, 50], strides = [1, 1]} : vector<2048x128xf32> to vector<2048x50xf32>
    %slice3A_14 = vector.extract_strided_slice %get3A_1 {offsets = [0, 474], sizes = [64, 50], strides = [1, 1]} : vector<64x656xf32> to vector<64x50xf32>
    %dot_general3A_15 = arith.constant dense<0.000000e+00> : vector<2048x64xf32>
    %dot_general3A_16 = tpu.matmul %slice3A_13, %slice3A_14, %dot_general3A_15 {dimension_numbers = #tpu.dot_dimension_numbers<[1], [1], [0], [0], [0, 0, 1, 0], [], []>, precision = #tpu.contract_precision<fp32>, transpose_lhs_hint = false} : vector<2048x50xf32>, vector<64x50xf32>, vector<2048x64xf32> -> vector<2048x64xf32>
    %add3A_17 = arith.addf %add3A, %dot_general3A_16 : vector<2048x64xf32>
    %slice3A_18 = vector.extract_strided_slice %get3A_1 {offsets = [0, 84], sizes = [64, 1], strides = [1, 1]} : vector<64x656xf32> to vector<64x1xf32>
    %slice3A_19 = vector.extract_strided_slice %get3A_1 {offsets = [0, 415], sizes = [64, 9], strides = [1, 1]} : vector<64x656xf32> to vector<64x9xf32>
    %slice3A_20 = vector.extract_strided_slice %get3A_1 {offsets = [0, 524], sizes = [64, 1], strides = [1, 1]} : vector<64x656xf32> to vector<64x1xf32>
    %slice3A_21 = vector.extract_strided_slice %get3A_1 {offsets = [0, 631], sizes = [64, 25], strides = [1, 1]} : vector<64x656xf32> to vector<64x25xf32>
    %concatenate3A = tpu.concatenate %slice3A_18, %slice3A_19, %slice3A_20, %slice3A_21 in 1 : vector<64x1xf32>, vector<64x9xf32>, vector<64x1xf32>, vector<64x25xf32> -> vector<64x36xf32>
    %get3A_22 = arith.constant 0 : index
    %get3A_23 = arith.constant 0 : index
    %get3A_24 = vector.load %arg4[%get3A_22, %get3A_23] : memref<2048x36xf32, #tpu.memory_space<vmem>>, vector<2048x36xf32>
    %dot_general3A_25 = arith.constant dense<0.000000e+00> : vector<2048x64xf32>
    %dot_general3A_26 = tpu.matmul %get3A_24, %concatenate3A, %dot_general3A_25 {dimension_numbers = #tpu.dot_dimension_numbers<[1], [1], [0], [0], [0, 0, 1, 0], [], []>, precision = #tpu.contract_precision<fp32>, transpose_lhs_hint = false} : vector<2048x36xf32>, vector<64x36xf32>, vector<2048x64xf32> -> vector<2048x64xf32>
    %add3A_27 = arith.addf %add3A_17, %dot_general3A_26 : vector<2048x64xf32>
    %get3A_28 = arith.constant 0 : index
    %get3A_29 = arith.constant 0 : index
    %get3A_30 = vector.load %arg5[%get3A_28, %get3A_29] : memref<2048x11xi32, #tpu.memory_space<vmem>>, vector<2048x11xi32>
    %iota3A = tpu.iota {dimensions = array<i32: 1>} : vector<2048x37xi32>
    %slice3A_31 = vector.extract_strided_slice %get3A_30 {offsets = [0, 0], sizes = [2048, 1], strides = [1, 1]} : vector<2048x11xi32> to vector<2048x1xi32>
    %eq3A = vector.broadcast %slice3A_31 : vector<2048x1xi32> to vector<2048x37xi32>
    %eq3A_32 = arith.cmpi eq, %iota3A, %eq3A : vector<2048x37xi32>
    %convert_element_type3A = arith.extui %eq3A_32 : vector<2048x37xi1> to vector<2048x37xi32>
    %convert_element_type3A_33 = arith.sitofp %convert_element_type3A : vector<2048x37xi32> to vector<2048x37xf32>
    %slice3A_34 = vector.extract_strided_slice %get3A_30 {offsets = [0, 1], sizes = [2048, 1], strides = [1, 1]} : vector<2048x11xi32> to vector<2048x1xi32>
    %eq3A_35 = vector.broadcast %slice3A_34 : vector<2048x1xi32> to vector<2048x37xi32>
    %eq3A_36 = arith.cmpi eq, %iota3A, %eq3A_35 : vector<2048x37xi32>
    %convert_element_type3A_37 = arith.extui %eq3A_36 : vector<2048x37xi1> to vector<2048x37xi32>
    %convert_element_type3A_38 = arith.sitofp %convert_element_type3A_37 : vector<2048x37xi32> to vector<2048x37xf32>
    %add3A_39 = arith.addf %convert_element_type3A_33, %convert_element_type3A_38 : vector<2048x37xf32>
    %slice3A_40 = vector.extract_strided_slice %get3A_30 {offsets = [0, 2], sizes = [2048, 1], strides = [1, 1]} : vector<2048x11xi32> to vector<2048x1xi32>
    %eq3A_41 = vector.broadcast %slice3A_40 : vector<2048x1xi32> to vector<2048x37xi32>
    %eq3A_42 = arith.cmpi eq, %iota3A, %eq3A_41 : vector<2048x37xi32>
    %convert_element_type3A_43 = arith.extui %eq3A_42 : vector<2048x37xi1> to vector<2048x37xi32>
    %convert_element_type3A_44 = arith.sitofp %convert_element_type3A_43 : vector<2048x37xi32> to vector<2048x37xf32>
    %add3A_45 = arith.addf %add3A_39, %convert_element_type3A_44 : vector<2048x37xf32>
    %slice3A_46 = vector.extract_strided_slice %get3A_30 {offsets = [0, 3], sizes = [2048, 1], strides = [1, 1]} : vector<2048x11xi32> to vector<2048x1xi32>
    %eq3A_47 = vector.broadcast %slice3A_46 : vector<2048x1xi32> to vector<2048x37xi32>
    %eq3A_48 = arith.cmpi eq, %iota3A, %eq3A_47 : vector<2048x37xi32>
    %convert_element_type3A_49 = arith.extui %eq3A_48 : vector<2048x37xi1> to vector<2048x37xi32>
    %convert_element_type3A_50 = arith.sitofp %convert_element_type3A_49 : vector<2048x37xi32> to vector<2048x37xf32>
    %add3A_51 = arith.addf %add3A_45, %convert_element_type3A_50 : vector<2048x37xf32>
    %slice3A_52 = vector.extract_strided_slice %get3A_30 {offsets = [0, 4], sizes = [2048, 1], strides = [1, 1]} : vector<2048x11xi32> to vector<2048x1xi32>
    %eq3A_53 = vector.broadcast %slice3A_52 : vector<2048x1xi32> to vector<2048x37xi32>
    %eq3A_54 = arith.cmpi eq, %iota3A, %eq3A_53 : vector<2048x37xi32>
    %convert_element_type3A_55 = arith.extui %eq3A_54 : vector<2048x37xi1> to vector<2048x37xi32>
    %convert_element_type3A_56 = arith.sitofp %convert_element_type3A_55 : vector<2048x37xi32> to vector<2048x37xf32>
    %add3A_57 = arith.addf %add3A_51, %convert_element_type3A_56 : vector<2048x37xf32>
    %slice3A_58 = vector.extract_strided_slice %get3A_30 {offsets = [0, 5], sizes = [2048, 1], strides = [1, 1]} : vector<2048x11xi32> to vector<2048x1xi32>
    %eq3A_59 = vector.broadcast %slice3A_58 : vector<2048x1xi32> to vector<2048x37xi32>
    %eq3A_60 = arith.cmpi eq, %iota3A, %eq3A_59 : vector<2048x37xi32>
    %convert_element_type3A_61 = arith.extui %eq3A_60 : vector<2048x37xi1> to vector<2048x37xi32>
    %convert_element_type3A_62 = arith.sitofp %convert_element_type3A_61 : vector<2048x37xi32> to vector<2048x37xf32>
    %add3A_63 = arith.addf %add3A_57, %convert_element_type3A_62 : vector<2048x37xf32>
    %slice3A_64 = vector.extract_strided_slice %get3A_30 {offsets = [0, 6], sizes = [2048, 1], strides = [1, 1]} : vector<2048x11xi32> to vector<2048x1xi32>
    %eq3A_65 = vector.broadcast %slice3A_64 : vector<2048x1xi32> to vector<2048x37xi32>
    %eq3A_66 = arith.cmpi eq, %iota3A, %eq3A_65 : vector<2048x37xi32>
    %convert_element_type3A_67 = arith.extui %eq3A_66 : vector<2048x37xi1> to vector<2048x37xi32>
    %convert_element_type3A_68 = arith.sitofp %convert_element_type3A_67 : vector<2048x37xi32> to vector<2048x37xf32>
    %add3A_69 = arith.addf %add3A_63, %convert_element_type3A_68 : vector<2048x37xf32>
    %slice3A_70 = vector.extract_strided_slice %get3A_30 {offsets = [0, 7], sizes = [2048, 1], strides = [1, 1]} : vector<2048x11xi32> to vector<2048x1xi32>
    %eq3A_71 = vector.broadcast %slice3A_70 : vector<2048x1xi32> to vector<2048x37xi32>
    %eq3A_72 = arith.cmpi eq, %iota3A, %eq3A_71 : vector<2048x37xi32>
    %convert_element_type3A_73 = arith.extui %eq3A_72 : vector<2048x37xi1> to vector<2048x37xi32>
    %convert_element_type3A_74 = arith.sitofp %convert_element_type3A_73 : vector<2048x37xi32> to vector<2048x37xf32>
    %add3A_75 = arith.addf %add3A_69, %convert_element_type3A_74 : vector<2048x37xf32>
    %slice3A_76 = vector.extract_strided_slice %get3A_30 {offsets = [0, 8], sizes = [2048, 1], strides = [1, 1]} : vector<2048x11xi32> to vector<2048x1xi32>
    %eq3A_77 = vector.broadcast %slice3A_76 : vector<2048x1xi32> to vector<2048x37xi32>
    %eq3A_78 = arith.cmpi eq, %iota3A, %eq3A_77 : vector<2048x37xi32>
    %convert_element_type3A_79 = arith.extui %eq3A_78 : vector<2048x37xi1> to vector<2048x37xi32>
    %convert_element_type3A_80 = arith.sitofp %convert_element_type3A_79 : vector<2048x37xi32> to vector<2048x37xf32>
    %add3A_81 = arith.addf %add3A_75, %convert_element_type3A_80 : vector<2048x37xf32>
    %slice3A_82 = vector.extract_strided_slice %get3A_30 {offsets = [0, 9], sizes = [2048, 1], strides = [1, 1]} : vector<2048x11xi32> to vector<2048x1xi32>
    %eq3A_83 = vector.broadcast %slice3A_82 : vector<2048x1xi32> to vector<2048x37xi32>
    %eq3A_84 = arith.cmpi eq, %iota3A, %eq3A_83 : vector<2048x37xi32>
    %convert_element_type3A_85 = arith.extui %eq3A_84 : vector<2048x37xi1> to vector<2048x37xi32>
    %convert_element_type3A_86 = arith.sitofp %convert_element_type3A_85 : vector<2048x37xi32> to vector<2048x37xf32>
    %add3A_87 = arith.addf %add3A_81, %convert_element_type3A_86 : vector<2048x37xf32>
    %slice3A_88 = vector.extract_strided_slice %get3A_30 {offsets = [0, 10], sizes = [2048, 1], strides = [1, 1]} : vector<2048x11xi32> to vector<2048x1xi32>
    %eq3A_89 = vector.broadcast %slice3A_88 : vector<2048x1xi32> to vector<2048x37xi32>
    %eq3A_90 = arith.cmpi eq, %iota3A, %eq3A_89 : vector<2048x37xi32>
    %convert_element_type3A_91 = arith.extui %eq3A_90 : vector<2048x37xi1> to vector<2048x37xi32>
    %convert_element_type3A_92 = arith.sitofp %convert_element_type3A_91 : vector<2048x37xi32> to vector<2048x37xf32>
    %add3A_93 = arith.addf %add3A_87, %convert_element_type3A_92 : vector<2048x37xf32>
    %get3A_94 = arith.constant 0 : index
    %get3A_95 = arith.constant 0 : index
    %get3A_96 = vector.load %arg7[%get3A_94, %get3A_95] : memref<37x64xf32, #tpu.memory_space<vmem>>, vector<37x64xf32>
    %dot_general3A_97 = arith.constant dense<0.000000e+00> : vector<2048x64xf32>
    %dot_general3A_98 = tpu.matmul %add3A_93, %get3A_96, %dot_general3A_97 {dimension_numbers = #tpu.dot_dimension_numbers<[1], [0], [0], [1], [0, 0, 1, 1], [], []>, precision = #tpu.contract_precision<fp32>, transpose_lhs_hint = false} : vector<2048x37xf32>, vector<37x64xf32>, vector<2048x64xf32> -> vector<2048x64xf32>
    %add3A_99 = arith.addf %add3A_27, %dot_general3A_98 : vector<2048x64xf32>
    %get3A_100 = arith.constant 0 : index
    %get3A_101 = arith.constant 0 : index
    %get3A_102 = vector.load %arg8[%get3A_100, %get3A_101] : memref<1x64xf32, #tpu.memory_space<vmem>>, vector<1x64xf32>
    %add3A_103 = vector.broadcast %get3A_102 : vector<1x64xf32> to vector<2048x64xf32>
    %add3A_104 = arith.addf %add3A_99, %add3A_103 : vector<2048x64xf32>
    %swap3A = arith.constant 0 : index
    %swap3A_105 = arith.constant 0 : index
    %swap3A_106 = vector.load %arg9[%swap3A, %swap3A_105] : memref<2048x64xf32, #tpu.memory_space<vmem>>, vector<2048x64xf32>
    tpu.vector_store %arg9[%swap3A, %swap3A_105], %add3A_104 {strides = array<i32>} : memref<2048x64xf32, #tpu.memory_space<vmem>>, vector<2048x64xf32>,
    return
  }
  func.func @transform_0(%arg0: i32) -> (i32, i32) {
    %c0_i32 = arith.constant 0 : i32
    %c0_i32_0 = arith.constant 0 : i32
    return %arg0, %c0_i32 : i32, i32
  }
  func.func @transform_1(%arg0: i32) -> (i32, i32) {
    %c0_i32 = arith.constant 0 : i32
    %c0_i32_0 = arith.constant 0 : i32
    return %arg0, %c0_i32 : i32, i32
  }
  func.func @transform_2(%arg0: i32) -> (i32, i32) {
    %c0_i32 = arith.constant 0 : i32
    %c0_i32_0 = arith.constant 0 : i32
    return %arg0, %c0_i32 : i32, i32
  }
  func.func @transform_3(%arg0: i32) -> (i32, i32) {
    %c0_i32 = arith.constant 0 : i32
    %c0_i32_0 = arith.constant 0 : i32
    return %arg0, %c0_i32 : i32, i32
  }
  func.func @transform_4(%arg0: i32) -> (i32, i32) {
    %c0_i32 = arith.constant 0 : i32
    %c0_i32_0 = arith.constant 0 : i32
    return %arg0, %c0_i32 : i32, i32
  }
  func.func @transform_5(%arg0: i32) -> (i32, i32) {
    %c0_i32 = arith.constant 0 : i32
    %c0_i32_0 = arith.constant 0 : i32
    %c0_i32_1 = arith.constant 0 : i32
    return %c0_i32, %c0_i32_0 : i32, i32
  }
  func.func @transform_6(%arg0: i32) -> (i32, i32) {
    %c0_i32 = arith.constant 0 : i32
    %c0_i32_0 = arith.constant 0 : i32
    %c0_i32_1 = arith.constant 0 : i32
    return %c0_i32, %c0_i32_0 : i32, i32
  }
  func.func @transform_7(%arg0: i32) -> (i32, i32) {
    %c0_i32 = arith.constant 0 : i32
    %c0_i32_0 = arith.constant 0 : i32
    %c0_i32_1 = arith.constant 0 : i32
    return %c0_i32, %c0_i32_0 : i32, i32
  }
  func.func @transform_8(%arg0: i32) -> (i32, i32) {
    %c0_i32 = arith.constant 0 : i32
    %c0_i32_0 = arith.constant 0 : i32
    return %arg0, %c0_i32 : i32, i32
  }
}

</mosaic_0001>

<sc_bundles>
// kernel: kernel.7.cloned.1.call-start
scs
__scs_entry_jumppad:
0x0: {  	(pc) =	sbr.rel $0x88, $3  }
0x1: {  	(tag) =	ssettag $0x0;
	lr =	simm.s32 $0x1  }
0x2: {  	[smem:$0x3F56] =	sst lr;
	_ =	strace $0xD0000000  }
0x3: {  	_ = 	snop  }
0x4: {  	_ = 	snop  }
0x5: {  	_ = 	snop  }
0x6: {  	_ = 	snop  }
0x7: {  	_ = 	snop  }
__scs_overlays_trampoline_lowered:
0x8: {  	[smem:$0x3F65] =	sst s0  }
0x9: {  	[smem:$0x3F66] =	sst s1  }
0xa: {  	[smem:$0x3F67] =	sst s2  }
0xb: {  	[smem:$0x3F68] =	sst s3  }
0xc: {  	[smem:$0x3F69] =	sst s4  }
0xd: {  	[smem:$0x3F6A] =	sst s5  }
0xe: {  	[smem:$0x3F6B] =	sst s6  }
0xf: {  	[smem:$0x3F6C] =	sst s7  }
0x10: {  	[smem:$0x3F6D] =	sst s8  }
0x11: {  	[smem:$0x3F6E] =	sst s9;
	s0 =	simm.s32 @!p0 $0x0  }
0x12: {  	s1 =	sld [smem:$0x3F54];
	s0 =	simm.s32 @p0 $0x1  }
0x13: {  	[smem:$0x3F6F] =	sst s0;
	s0 =	simm.s32 @!p1 $0x0  }
0x14: {  	s2 =	sld [smem:$0x3F53];
	s0 =	simm.s32 @p1 $0x1  }
0x15: {  	[smem:$0x3F70] =	sst s0;
	s0 =	simm.s32 @!p2 $0x0  }
0x16: {  	s3 =	sld [smem:$0x3FDB];
	s0 =	simm.s32 @p2 $0x1  }
0x17: {  	s4 =	simm.s32 $0x1BF5;
	[smem:$0x3F72] =	sst s0  }
0x18: {  	s0 =	sld [smem:$0x3F55];
	_ =	swait.ge [sflag:s4], $0x0  }
0x19: {  	s7 =	sld [smem:$0x3F56]  }
0x1a: {  	s8 =	sadd.s32 $0xFFFFE003, lr  }
0x1b: {  	s9 =	sadd.s32 $0xFFFFFEF7, lr;
	s5 =	simm.s32 $0xFFFFFFFF;
	p2 =	slt.u32 s8, $0xFFFFF086  }
0x1c: {  	p1 =	slt.u32 s9, $0xF7A;
	s5 =	simm.s32 @!p2 $0x0  }
0x1d: {  	s5 =	simm.s32 @p1 $0x1;
	p0 =	seq.s32 s7, s2  }
0x1e: {  	s7 =	smul.u32 @!p0 $0xF7A, s2;
	p2 =	seq.s32 @!p0 s5, $0x0  }
0x1f: {  	s9 =	smul.u32 $0xF7A, s1;
	s8 =	simm.s32 @!p0 $0x1BF5;
	p2 =	por !p2, p0  }
0x20: {  	[sflag:s8] =	ssyncset.s32 @!p0 $0xFFFFF086;
	s6 =	sadd.s32 @!p0 s3, s7;
	s7 =	simm.s32 @!p0 $0x108  }
0x21: {  	s3 =	sadd.s32 s3, s9;
	s6 =	sadd.s32 @!p0 $0x88, s6;
	s7 =	simm.s32 @p2 $0x1082  }
0x22: {  	[simem:s7], [sflag:s8] =	dma.local @!p0 [hbm:s6], $0xF7A  }
0x23: {  	s9 =	sor.u32 $0xD0000000, s2;
	s6 =	simm.s32 $0x108;
	_ =	swait.ge @!p0 [sflag:s8], $0x0  }
0x24: {  	s3 =	sadd.s32 $0x88, s3;
	s6 =	simm.s32 @!p1 $0x1082;
	[sflag:s4] =	ssyncset.s32 $0xFFFFF086  }
0x25: {  	[simem:s6], [sflag:s4] =	dma.local [hbm:s3], $0xF7A  }
0x26: {  	[smem:$0x3F56] =	sst s1;
	(tag) =	ssettag s2;
	_ =	strace s9  }
0x27: {  	s1 =	sld [smem:$0x3F66]  }
0x28: {  	s2 =	sld [smem:$0x3F67]  }
0x29: {  	s4 =	sld [smem:$0x3F69]  }
0x2a: {  	p0 =	seq.s32 s5, $0x0;
	s5 =	sld [smem:$0x3F6A]  }
0x2b: {  	s6 =	sld [smem:$0x3F6B]  }
0x2c: {  	s7 =	sld [smem:$0x3F6C]  }
0x2d: {  	s3 =	simm.s32 $0x108;
	s8 =	sld [smem:$0x3F6D]  }
0x2e: {  	s3 =	simm.s32 @!p0 $0x1082;
	s9 =	sld [smem:$0x3F6E]  }
0x2f: {  	lr =	sadd.s32 s0, s3;
	s0 =	sld [smem:$0x3F65]  }
0x30: {  	s3 =	sld [smem:$0x3F68]  }
0x31: {  	[smem:$0x3F71] =	sst s10  }
0x32: {  	s10 =	sld [smem:$0x3F6F];
	_ =	sdelay $0x3  }
0x33: {  	p0 =	seq.s32 s10, $0x1;
	s10 =	sld [smem:$0x3F71];
	_ =	sdelay $0x3  }
0x34: {  	[smem:$0x3F71] =	sst s10  }
0x35: {  	s10 =	sld [smem:$0x3F70];
	_ =	sdelay $0x3  }
0x36: {  	p1 =	seq.s32 s10, $0x1;
	s10 =	sld [smem:$0x3F71];
	_ =	sdelay $0x3  }
0x37: {  	[smem:$0x3F71] =	sst s10  }
0x38: {  	s10 =	sld [smem:$0x3F72]  }
0x39: {  	_ = 	snop;
	(pc) =	sbr.ind lr, $3  }
0x3a: {  	_ = 	snop  }
0x3b: {  	_ = 	snop  }
0x3c: {  	p2 =	seq.s32 s10, $0x1;
	s10 =	sld [smem:$0x3F71]  }
0x3d: {  	_ =	shalt  }
0x3e: {  	_ =	shalt  }
0x3f: {  	_ =	shalt  }
0x40: {  	_ =	shalt  }
0x41: {  	_ =	shalt  }
0x42: {  	_ =	shalt  }
0x43: {  	_ =	shalt  }
0x44: {  	_ =	shalt  }
0x45: {  	_ =	shalt  }
0x46: {  	_ =	shalt  }
0x47: {  	_ =	shalt  }
0x48: {  	_ =	shalt  }
0x49: {  	_ =	shalt  }
0x4a: {  	_ =	shalt  }
0x4b: {  	_ =	shalt  }
0x4c: {  	_ =	shalt  }
0x4d: {  	_ =	shalt  }
0x4e: {  	_ =	shalt  }
0x4f: {  	_ =	shalt  }
0x50: {  	_ =	shalt  }
0x51: {  	_ =	shalt  }
0x52: {  	_ =	shalt  }
0x53: {  	_ =	shalt  }
0x54: {  	_ =	shalt  }
0x55: {  	_ =	shalt  }
0x56: {  	_ =	shalt  }
0x57: {  	_ =	shalt  }
0x58: {  	_ =	shalt  }
0x59: {  	_ =	shalt  }
0x5a: {  	_ =	shalt  }
0x5b: {  	_ =	shalt  }
0x5c: {  	_ =	shalt  }
0x5d: {  	_ =	shalt  }
0x5e: {  	_ =	shalt  }
0x5f: {  	_ =	shalt  }
0x60: {  	_ =	shalt  }
0x61: {  	_ =	shalt  }
0x62: {  	_ =	shalt  }
0x63: {  	_ =	shalt  }
0x64: {  	_ =	shalt  }
0x65: {  	_ =	shalt  }
0x66: {  	_ =	shalt  }
0x67: {  	_ =	shalt  }
0x68: {  	_ =	shalt  }
0x69: {  	_ =	shalt  }
0x6a: {  	_ =	shalt  }
0x6b: {  	_ =	shalt  }
0x6c: {  	_ =	shalt  }
0x6d: {  	_ =	shalt  }
0x6e: {  	_ =	shalt  }
0x6f: {  	_ =	shalt  }
0x70: {  	_ =	shalt  }
0x71: {  	_ =	shalt  }
0x72: {  	_ =	shalt  }
0x73: {  	_ =	shalt  }
0x74: {  	_ =	shalt  }
0x75: {  	_ =	shalt  }
0x76: {  	_ =	shalt  }
0x77: {  	_ =	shalt  }
0x78: {  	_ =	shalt  }
0x79: {  	_ =	shalt  }
0x7a: {  	_ =	shalt  }
0x7b: {  	_ =	shalt  }
0x7c: {  	_ =	shalt  }
0x7d: {  	_ =	shalt  }
0x7e: {  	_ =	shalt  }
0x7f: {  	_ =	shalt  }
0x80: {  	_ =	shalt  }
0x81: {  	_ =	shalt  }
0x82: {  	_ =	shalt  }
0x83: {  	_ =	shalt  }
0x84: {  	_ =	shalt  }
0x85: {  	_ =	shalt  }
0x86: {  	_ =	shalt  }
0x87: {  	_ =	shalt  }
.Lfunc_end0:
.L_simem_size_0:
called_computation_lowered:
.L_overlay_start_0:
0x88: {  	s2 =	sld [smem:$0x3FD9]  }
0x89: {  	s3 =	sld [smem:$0x3FFE];
	_ =	sdelay $0x1  }
0x8a: {  	s1 =	srdreg.scid  }
0x8b: {  	s0 =	sand.u32 $0x1, s1  }
0x8c: {  	s14 =	sshll.u32 s0, $0xA;
	s2 =	sadd.s32 s3, s2  }
0x8d: {  	s2 =	sadd.s32 s2, s14  }
0x8e: {  	[smem:$0x3F7D] =	sst s2  }
0x8f: {  	_ = 	snop  }
0x90: {  	s2 =	sld [smem:$0x3FD0];
	_ =	sdelay $0x2  }
0x91: {  	s15 =	simm.s32 $0xA;
	s4 =	simm.s32 $0x10  }
0x92: {  	[smem:s4], [sflag:s15] =	dma.local [hbm:s2], $0x1  }
0x93: {  	_ =	swait.eq [sflag:s15], $0x1  }
0x94: {  	[sflag:s15] =	ssyncset.done $0x0  }
0x95: {  	[sflag:s15] =	ssyncadd.s32 $0xFFFFFFFF  }
0x96: {  	s16 =	sld [smem:$0x10];
	(tm) =	ssettm $0x1  }
0x97: {  	s17 =	sld [smem:$0x3FFB];
	_ =	sdelay $0x3  }
0x98: {  	_ =	strace s17  }
0x99: {  	s3 =	sld [smem:$0x3FFC];
	_ =	sdelay $0x3  }
0x9a: {  	_ =	strace s3  }
0x9b: {  	s3 =	sld [smem:$0x3FFD];
	_ =	sdelay $0x3  }
0x9c: {  	_ =	strace s3  }
0x9d: {  	_ =	strace $0x8FFFFFFF  }
0x9e: {  	s18 =	sld [smem:$0x3FDB];
	_ =	sdelay $0x1  }
0x9f: {  	s19 =	simm.s32 $_scs_section_size  }
0xa0: {  	s5 =	simm.s32 $_size__tile_overlayer_lowered;
	s6 =	simm.s32 $_tile_overlayer_lowered  }
0xa1: {  	s22 =	simm.s32 $0x1BFF;
	s21 =	sshll.u32 s6, $0x1;
	s3 =	sadd.s32 s19, s18  }
0xa2: {  	s7 =	simm.s32 $0x0;
	s20 =	sshll.u32 s5, $0x1;
	s5 =	sadd.s32 s21, s3  }
0xa3: {  	[timem:s7], [sflag:s22] =	dma.local [hbm:s5], s20  }
0xa4: {  	_ =	swait.ge [sflag:s22], s20  }
0xa5: {  	s4 =	ssub.s32 $0x0, s20;
	[sflag:s22] =	ssyncset.done $0x0  }
0xa6: {  	[sflag:s22] =	ssyncadd.s32 s4;
	_ =	sdelay $0x1  }
0xa7: {  	s23 =	simm.s32 $0x1B8B  }
0xa8: {  	_ =	swait.ge [sflag:s23], $0x1  }
0xa9: {  	[sflag:s23] =	ssyncset.done $0x0  }
0xaa: {  	s25 =	simm.s32 $0x1B8E;
	s24 =	sld [smem:$0x3FFE];
	[sflag:s23] =	ssyncadd.s32 $0xFFFFFFFF  }
0xab: {  	s26 =	simm.s32 $execute0_lowered;
	[smem:$0x3FD2] =	sst s25  }
0xac: {  	s5 =	sshll.u32 s26, $0x1;
	_ =	strace $0x80000046;
	[dreg:$0x1] =	wrdreg $0xFFFFFFFF  }
0xad: {  	s28 =	simm.s32 $_size_execute0_lowered;
	s3 =	sadd.s32 s3, s5;
	[dreg:$0x0] =	wrdreg $0x0  }
0xae: {  	s5 =	sshll.u32 s28, $0x1;
	[dreg:$0x2] =	wrdreg s3  }
0xaf: {  	[dreg:$0x3] =	wrdreg s5  }
0xb0: {  	[dreg:$0x4] =	wrdreg $0xC0  }
0xb1: {  	_ =	task [dreg:s7], $0x5FFFF  }
0xb2: {  	[dreg:$0x1] =	wrdreg $0xFFFFFFFF  }
0xb3: {  	[dreg:$0x0] =	wrdreg $0x60  }
0xb4: {  	[dreg:$0x2] =	wrdreg s24  }
0xb5: {  	[dreg:$0x3] =	wrdreg s16  }
0xb6: {  	[dreg:$0x4] =	wrdreg $0x9  }
0xb7: {  	_ =	task.clear_ibuf [dreg:s7], $0x5FFFF;
	_ =	strace $0x90000046  }
0xb8: {  	s29 =	simm.s32 $0x9;
	_ =	strace $0x80000048  }
0xb9: {  	_ =	swait.ge [sflag:s29], $0x1  }
0xba: {  	[sflag:s29] =	ssyncadd.s32 $0xFFFFFFFF  }
0xbb: {  	_ =	strace $0x90000048  }
0xbc: {  	_ =	sfence  }
0xbd: {  	s30 =	sld [smem:$0x0];
	_ =	sdelay $0x2  }
0xbe: {  	s31 =	sshll.u32 s1, $0xD;
	s1 =	sshrl.u32 s1, $0x2  }
0xbf: {  	s3 =	sand.u32 $0x4000, s31;
	s1 =	sadd.s32 s1, s30  }
0xc0: {  	s0 =	sor.u32 s3, s0;
	s1 =	sshll.u32 s1, $0x11  }
0xc1: {  	s0 =	sor.u32 s1, s0  }
0xc2: {  	s0 =	sadd.s32 $0x8F2B, s0  }
0xc3: {  	[sflag:s0] =	ssyncadd.remote.s32 $0x1  }
0xc4: {  	_ =	sfence.sel $0xFFFF  }
0xc5: {  	[dreg:$0x0] =	wrdreg $0xFFFFFFFF;
	(pc) =	sbr.abs _section_cstart, $3  }
0xc6: {  	[dreg:$0x1] =	wrdreg $0xFFFFFFFF  }
0xc7: {  	_ =	task.clear_ibuf [dreg:s7], $0x2FFFF;
	_ =	strace $0x9FFFFFFF  }
0xc8: {  	(tm) =	ssettm $0x7FFFFFFF  }
0xc9: {  	_ =	shalt  }
tec
execute0_lowered:
.L_overlay_start_1:
0x0: {  	(tag) =	ssettag $0x1  }
0x1: {  	s0 =	rddreg [dreg:$0x0];
	s2 =	simm.s32 $0x0  }
0x2: {  	s1 =	srdreg.scid;
	s7 =	stileid.u32;
	s18 =	simm.s32 $0x9  }
0x3: {  	s19 =	simm.s32 $0x50;
	s17 =	simm.s32 $0xA280;
	s20 =	simm.s32 $0x2  }
0x4: {  	s21 =	simm.s32 $0x3;
	s22 =	simm.s32 $0x4;
	s23 =	simm.s32 $0x5  }
0x5: {  	s24 =	simm.s32 $0x6;
	s25 =	simm.s32 $0x7;
	s26 =	simm.s32 $0x8  }
0x6: {  	s28 =	simm.s32 $0xCA80;
	s29 =	simm.s32 $0x0;
	[smem:$0x7FF] =	sst s2  }
0x7: {  	s3 =	sadd.s32 $0x19E00, s0;
	s4 =	sadd.s32 $0x23000, s0;
	s5 =	sadd.s32 $0x7600, s0  }
0x8: {  	s6 =	sadd.s32 $0x21000, s0;
	s8 =	sadd.s32 $0x1F000, s0;
	s9 =	sadd.s32 $0x1D000, s0  }
0x9: {  	s10 =	sadd.s32 $0x1C01E00, s0;
	s11 =	sadd.s32 $0xE13600, s0;
	s1 =	sand.u32 $0x1, s1  }
0xa: {  	s7 =	sshll.u32 s7, $0x1;
	s12 =	sadd.s32 $0x24E00, s0;
	s16 =	ssub.s32 $0x2, s1  }
0xb: {  	s13 =	sadd.s32 $0x31600, s0;
	s1 =	sor.u32 s1, s7;
	s30 =	sshrl.u32 s16, $0x1  }
0xc: {  	s15 =	sadd.s32 $0xF9600, s0;
	s14 =	smul.u32 $0x640, s1;
	s31 =	ssub.s32 s16, s30  }
0xd: {  	_ =	strace $0x80000047;
	s16 =	smul.u32 $0x14, s1;
	s0 =	smax.u32 s31, $0x1  }
0xe: {  	s1 =	simm.s32 $0x1;
	[dreg:$0x3] =	wrdreg s0;
	s0 =	simm.s32 $0x7A80  }
.LBB2_1:
0xf: {  	[dreg:$0x4] =	wrdreg s29;
	s29 =	simm.s32 $0x0  }
.LBB2_2:
0x10: {  	s7 =	sadd.s32 s16, s29  }
0x11: {  	s7 =	smul.u32 $0x50, s7;
	_ =	sdelay $0x1  }
0x12: {  	s30 =	simm.s32 $0x0;
	s7 =	sadd.s32 s12, s7  }
0x13: {  	[tilespmem:s30], [sflag:$0x9] =	stream.linear.gather [hbm4b:s7+s30], $0x280, $0x38;
	[tilespmem:$0xDE80] =	vst v63  }
0x14: {  	_ =	swait.ge [sflag:s18], $0x280  }
0x15: {  	[sflag:s18] =	ssyncset.done $0x0  }
0x16: {  	s7 =	simm.s32 $0x280;
	[sflag:s18] =	ssyncadd.s32 $0xFFFFFD80  }
0x17: {  	[tilespmem:s7], [sflag:$0x1] =	stream.indirect.gather [hbm4b:s3+s19], $0x40, s30, s19, $0xb8;
	[tilespmem:$0xDE80] =	vst v63  }
0x18: {  	s7 =	simm.s32 $0x1680  }
0x19: {  	[tilespmem:s7], [sflag:$0x2] =	stream.indirect.gather [hbm4b:s4+s19], $0x40, s19, s19, $0xb8;
	[tilespmem:$0xDE80] =	vst v63  }
0x1a: {  	s30 =	simm.s32 $0x2A80;
	s7 =	simm.s32 $0xA0  }
0x1b: {  	[tilespmem:s30], [sflag:$0x3] =	stream.indirect.gather [hbm4b:s5+s19], $0x40, s7, s19, $0xb8;
	[tilespmem:$0xDE80] =	vst v63  }
0x1c: {  	s7 =	simm.s32 $0xF0;
	s30 =	simm.s32 $0x3E80  }
0x1d: {  	[tilespmem:s30], [sflag:$0x4] =	stream.indirect.gather [hbm4b:s6+s19], $0x40, s7, s19, $0xb8;
	[tilespmem:$0xDE80] =	vst v63  }
0x1e: {  	s7 =	simm.s32 $0x140;
	s30 =	simm.s32 $0x5280  }
0x1f: {  	[tilespmem:s30], [sflag:$0x5] =	stream.indirect.gather [hbm4b:s8+s19], $0x40, s7, s19, $0xb8;
	[tilespmem:$0xDE80] =	vst v63  }
0x20: {  	s7 =	simm.s32 $0x190;
	s30 =	simm.s32 $0x6680  }
0x21: {  	[tilespmem:s30], [sflag:$0x6] =	stream.indirect.gather [hbm4b:s9+s19], $0x40, s7, s19, $0xb8;
	[tilespmem:$0xDE80] =	vst v63  }
0x22: {  	s7 =	simm.s32 $0x1E0  }
0x23: {  	[tilespmem:s0], [sflag:$0x7] =	stream.indirect.gather [hbm4b:s10+s19], $0x80, s7, s19, $0xb8;
	[tilespmem:$0xDE80] =	vst v63  }
0x24: {  	s7 =	simm.s32 $0x230  }
0x25: {  	[tilespmem:s17], [sflag:$0x8] =	stream.indirect.gather [hbm4b:s11+s19], $0x80, s7, s19, $0xb8;
	[tilespmem:$0xDE80] =	vst v63  }
0x26: {  	_ =	swait.ge [sflag:s1], $0x1400  }
0x27: {  	[sflag:s1] =	ssyncset.done $0x0  }
0x28: {  	[sflag:s1] =	ssyncadd.s32 $0xFFFFEC00  }
0x29: {  	_ =	swait.ge [sflag:s20], $0x1400  }
0x2a: {  	[sflag:s20] =	ssyncset.done $0x0  }
0x2b: {  	[sflag:s20] =	ssyncadd.s32 $0xFFFFEC00  }
0x2c: {  	_ =	swait.ge [sflag:s21], $0x1400  }
0x2d: {  	[sflag:s21] =	ssyncset.done $0x0  }
0x2e: {  	[sflag:s21] =	ssyncadd.s32 $0xFFFFEC00  }
0x2f: {  	_ =	swait.ge [sflag:s22], $0x1400  }
0x30: {  	[sflag:s22] =	ssyncset.done $0x0  }
0x31: {  	[sflag:s22] =	ssyncadd.s32 $0xFFFFEC00  }
0x32: {  	_ =	swait.ge [sflag:s23], $0x1400  }
0x33: {  	[sflag:s23] =	ssyncset.done $0x0  }
0x34: {  	[sflag:s23] =	ssyncadd.s32 $0xFFFFEC00  }
0x35: {  	_ =	swait.ge [sflag:s24], $0x1400  }
0x36: {  	[sflag:s24] =	ssyncset.done $0x0  }
0x37: {  	[sflag:s24] =	ssyncadd.s32 $0xFFFFEC00  }
0x38: {  	_ =	swait.ge [sflag:s25], $0x2800  }
0x39: {  	[sflag:s25] =	ssyncset.done $0x0  }
0x3a: {  	[sflag:s25] =	ssyncadd.s32 $0xFFFFD800  }
0x3b: {  	_ =	swait.ge [sflag:s26], $0x2800  }
0x3c: {  	[sflag:s26] =	ssyncset.done $0x0  }
0x3d: {  	s30 =	simm.s32 $0x0;
	[sflag:s26] =	ssyncadd.s32 $0xFFFFD800  }
0x3e: {  	v0 =	vld [tilespmem:s30+$0x2B0]  }
0x3f: {  	v1 =	vld [tilespmem:s30+$0x16B0]  }
0x40: {  	v2 =	vld [tilespmem:s30+$0x280]  }
0x41: {  	v3 =	vld [tilespmem:s30+$0x2AB0]  }
0x42: {  	v4 =	vld [tilespmem:s30+$0x1680]  }
0x43: {  	v5 =	vld [tilespmem:s30+$0x3EB0]  }
0x44: {  	v6 =	vld [tilespmem:s30+$0x290]  }
0x45: {  	v7 =	vld [tilespmem:s30+$0x1690]  }
0x46: {  	v8 =	vld [tilespmem:s30+$0x2A0];
	v0 =	vadd.f32 v1, v0  }
0x47: {  	v1 =	vld [tilespmem:s30+$0x52B0]  }
0x48: {  	v9 =	vld [tilespmem:s30+$0x2A80];
	v0 =	vadd.f32 v3, v0  }
0x49: {  	v3 =	vld [tilespmem:s30+$0x66B0]  }
0x4a: {  	v10 =	vld [tilespmem:s30+$0x2AA0];
	v0 =	vadd.f32 v5, v0  }
0x4b: {  	v11 =	vld [tilespmem:s30+$0x3E80]  }
0x4c: {  	v5 =	vld [tilespmem:s30+$0x16A0];
	v0 =	vadd.f32 v1, v0  }
0x4d: {  	v1 =	vld [tilespmem:s30+$0x2A90]  }
0x4e: {  	v12 =	vld [tilespmem:s30+$0x3E90];
	v0 =	vadd.f32 v3, v0  }
0x4f: {  	v3 =	vadd.f32 v7, v6;
	v6 =	vld [tilespmem:s30+$0x5280]  }
0x50: {  	v2 =	vadd.f32 v4, v2;
	[tilespmem:s30+$0xCAB0] =	vst v0;
	v0 =	vld [tilespmem:s30+$0x3EA0]  }
0x51: {  	v7 =	vld [tilespmem:s30+$0x5290];
	v4 =	vadd.f32 v5, v8  }
0x52: {  	v2 =	vadd.f32 v9, v2;
	v5 =	vadd.f32 v1, v3;
	v1 =	vld [tilespmem:s30+$0x52A0]  }
0x53: {  	v4 =	vadd.f32 v10, v4;
	v3 =	vld [tilespmem:s30+$0x6680]  }
0x54: {  	v8 =	vadd.f32 v11, v2;
	v2 =	vld [tilespmem:s30+$0x6690];
	v63 =	vadd.f32 v12, v5  }
0x55: {  	s31 =	simm.s32 $0x40;
	v5 =	vadd.f32 v0, v4;
	v4 =	vld [tilespmem:s30+$0x66A0]  }
0x56: {  	s7 =	simm.s32 $0x200;
	v6 =	vadd.f32 v6, v8;
	v0 =	vld [tilespmem:s31+$0x2B0];
	v7 =	vadd.f32 v7, v63  }
.LBB2_3:
0x57: {  	p0 =	sne.s32 s7, $0x4F00;
	v8 =	vld [tilespmem:s31+$0x16B0];
	v1 =	vadd.f32 v1, v5  }
0x58: {  	v5 =	vld [tilespmem:s31+$0x280];
	v3 =	vadd.f32 v3, v6  }
0x59: {  	v6 =	vld [tilespmem:s31+$0x2AB0];
	v2 =	vadd.f32 v2, v7  }
0x5a: {  	v7 =	vld [tilespmem:s31+$0x1680];
	[tilespmem:s30+$0xCA80] =	vst v3;
	v1 =	vadd.f32 v4, v1  }
0x5b: {  	v3 =	vld [tilespmem:s31+$0x3EB0];
	[tilespmem:s30+$0xCA90] =	vst v2  }
0x5c: {  	v2 =	vld [tilespmem:s31+$0x290];
	v0 =	vadd.f32 v8, v0;
	[tilespmem:s30+$0xCAA0] =	vst v1;
	s30 =	smov.u32 s31  }
0x5d: {  	v1 =	vld [tilespmem:s30+$0x52B0]  }
0x5e: {  	v4 =	vld [tilespmem:s30+$0x1690];
	v0 =	vadd.f32 v6, v0  }
0x5f: {  	v5 =	vadd.f32 v7, v5;
	v6 =	vld [tilespmem:s30+$0x66B0]  }
0x60: {  	v7 =	vld [tilespmem:s30+$0x2A0];
	v0 =	vadd.f32 v3, v0  }
0x61: {  	v3 =	vld [tilespmem:s30+$0x16A0]  }
0x62: {  	v8 =	vld [tilespmem:s30+$0x2A80];
	v0 =	vadd.f32 v1, v0  }
0x63: {  	v1 =	vadd.f32 v4, v2;
	v2 =	vld [tilespmem:s30+$0x2A90]  }
0x64: {  	v4 =	vld [tilespmem:s30+$0x2AA0];
	v0 =	vadd.f32 v6, v0  }
0x65: {  	v6 =	vld [tilespmem:s30+$0x3E80]  }
0x66: {  	v9 =	vld [tilespmem:s30+$0x3E90];
	v3 =	vadd.f32 v3, v7;
	[tilespmem:s30+$0xCAB0] =	vst v0  }
0x67: {  	v0 =	vadd.f32 v8, v5;
	v5 =	vld [tilespmem:s30+$0x3EA0]  }
0x68: {  	v7 =	vld [tilespmem:s30+$0x5280];
	v2 =	vadd.f32 v2, v1  }
0x69: {  	v8 =	vld [tilespmem:s30+$0x5290];
	v4 =	vadd.f32 v4, v3  }
.Ltmp0:
0x6a: {  	v0 =	vadd.f32 v6, v0;
	v1 =	vld [tilespmem:s30+$0x52A0];
	(pc) =	sbr.rel @p0 .LBB2_3-.Ltmp0, $4  }
0x6b: {  	v3 =	vld [tilespmem:s30+$0x6680];
	v9 =	vadd.f32 v9, v2  }
0x6c: {  	v2 =	vld [tilespmem:s30+$0x6690];
	v5 =	vadd.f32 v5, v4  }
0x6d: {  	s31 =	sshra.s32 s7, $0x2;
	v6 =	vadd.f32 v7, v0;
	v4 =	vld [tilespmem:s30+$0x66A0]  }
0x6e: {  	s7 =	sadd.s32 $0x100, s7;
	v0 =	vld [tilespmem:s31+$0x2B0];
	v7 =	vadd.f32 v8, v9  }
0x6f: {  	v8 =	vld [tilespmem:s31+$0x16B0]  }
0x70: {  	v9 =	vld [tilespmem:s31+$0x280];
	v1 =	vadd.f32 v1, v5;
	v3 =	vadd.f32 v3, v6  }
0x71: {  	v46 =	vld [tilespmem:s31+$0x2AB0];
	v2 =	vadd.f32 v2, v7  }
0x72: {  	v10 =	vld [tilespmem:s31+$0x1680];
	[tilespmem:s30+$0xCA80] =	vst v3;
	v1 =	vadd.f32 v4, v1  }
0x73: {  	v3 =	vld [tilespmem:s31+$0x3EB0];
	[tilespmem:s30+$0xCA90] =	vst v2  }
0x74: {  	v2 =	vld [tilespmem:s31+$0x290];
	[tilespmem:s30+$0xCAA0] =	vst v1  }
0x75: {  	v1 =	vld [tilespmem:s31+$0x52B0]  }
0x76: {  	v47 =	vld [tilespmem:s31+$0x1690]  }
0x77: {  	v48 =	vld [tilespmem:s31+$0x66B0]  }
0x78: {  	v49 =	vld [tilespmem:s31+$0x2A0]  }
0x79: {  	v50 =	vld [tilespmem:s31+$0x16A0]  }
0x7a: {  	v51 =	vld [tilespmem:s31+$0x2A80]  }
0x7b: {  	v0 =	vadd.f32 v8, v0;
	v52 =	vld [tilespmem:s31+$0x2A90]  }
0x7c: {  	v53 =	vld [tilespmem:s31+$0x2AA0]  }
0x7d: {  	v54 =	vld [tilespmem:s31+$0x3E80];
	v0 =	vadd.f32 v46, v0  }
0x7e: {  	v11 =	vld [tilespmem:s31+$0x3E90]  }
0x7f: {  	v55 =	vld [tilespmem:s31+$0x3EA0];
	v0 =	vadd.f32 v3, v0  }
0x80: {  	v9 =	vadd.f32 v10, v9;
	v56 =	vld [tilespmem:s31+$0x5280]  }
0x81: {  	v57 =	vld [tilespmem:s31+$0x5290];
	v0 =	vadd.f32 v1, v0;
	v2 =	vadd.f32 v47, v2  }
0x82: {  	v59 =	vld [tilespmem:s31+$0x52A0];
	v3 =	vadd.f32 v50, v49;
	v58 =	vadd.f32 v51, v9  }
0x83: {  	v60 =	vld [tilespmem:s31+$0x6680];
	v0 =	vadd.f32 v48, v0;
	v1 =	vadd.f32 v52, v2  }
0x84: {  	v61 =	vld [tilespmem:s31+$0x6690];
	v3 =	vadd.f32 v53, v3;
	v5 =	vadd.f32 v54, v58  }
0x85: {  	v62 =	vld [tilespmem:s31+$0x66A0];
	v1 =	vadd.f32 v11, v1  }
0x86: {  	[tilespmem:s31+$0xCAB0] =	vst v0;
	v0 =	vadd.f32 v55, v3;
	v63 =	vadd.f32 v56, v5  }
0x87: {  	v1 =	vadd.f32 v57, v1  }
0x88: {  	v0 =	vadd.f32 v59, v0;
	v2 =	vadd.f32 v60, v63  }
0x89: {  	s7 =	smul.u32 $0x50, s29;
	v1 =	vadd.f32 v61, v1  }
0x8a: {  	[tilespmem:s31+$0xCA80] =	vst v2;
	v0 =	vadd.f32 v62, v0  }
0x8b: {  	s7 =	sadd.s32 s14, s7;
	[tilespmem:s31+$0xCA90] =	vst v1  }
0x8c: {  	s30 =	sshll.u32 s7, $0x3;
	[tilespmem:s31+$0xCAA0] =	vst v0;
	s31 =	rddreg [dreg:$0x1]  }
0x8d: {  	s30 =	sadd.s32 s31, s30  }
0x8e: {  	[hbm4b:s30+s2] =	stream.linear.scatter [tilespmem:s28], [sflag:$0x9], $0x1400, $0x38;
	[tilespmem:$0xDE80] =	vst v63  }
0x8f: {  	_ =	swait.ge [sflag:s18], $0x1400  }
0x90: {  	s7 =	sshll.u32 s7, $0x4;
	[sflag:s18] =	ssyncset.done $0x0  }
0x91: {  	s31 =	sadd.s32 s13, s7;
	[sflag:s18] =	ssyncadd.s32 $0xFFFFEC00  }
0x92: {  	[hbm4b:s31+s2] =	stream.linear.scatter [tilespmem:s0], [sflag:$0x9], $0x2800, $0x38;
	[tilespmem:$0xDE80] =	vst v63  }
0x93: {  	s29 =	sadd.s32 $0x1, s29;
	_ =	swait.ge [sflag:s18], $0x2800  }
0x94: {  	p0 =	sne.s32 s29, $0x14;
	[sflag:s18] =	ssyncset.done $0x0  }
.Ltmp1:
0x95: {  	s7 =	sadd.s32 s15, s7;
	[sflag:s18] =	ssyncadd.s32 $0xFFFFD800;
	(pc) =	sbr.rel @p0 .LBB2_2-.Ltmp1, $4  }
0x96: {  	[hbm4b:s7+s2] =	stream.linear.scatter [tilespmem:s17], [sflag:$0x9], $0x2800, $0x38;
	[tilespmem:$0xDE80] =	vst v63  }
0x97: {  	_ =	swait.ge [sflag:s18], $0x2800  }
0x98: {  	[sflag:s18] =	ssyncset.done $0x0  }
0x99: {  	[sflag:s18] =	ssyncadd.s32 $0xFFFFD800  }
0x9a: {  	s29 =	rddreg [dreg:$0x4]  }
0x9b: {  	s7 =	rddreg [dreg:$0x3];
	s29 =	sadd.s32 $0x1, s29  }
0x9c: {  	p0 =	sne.s32 s29, s7  }
.Ltmp2:
0x9d: {  	_ = 	snop;
	(pc) =	sbr.rel @p0 .LBB2_1-.Ltmp2, $1  }
0x9e: {  	_ =	sdelay $0x3  }
0x9f: {  	_ =	sfence.sel $0x180000  }
0xa0: {  	[bflag:$0x0] =	sbarrier.arrive $0xFFFF  }
0xa1: {  	_ =	strace $0x90000047  }
0xa2: {  	s0 =	stileid.u32;
	[bflag:$0x2] =	sbarrier.arrive $0xFFFF  }
0xa3: {  	p0 =	sne.s32 s0, $0x0;
	s0 =	rddreg [dreg:$0x2]  }
0xa4: {  	s0 =	sadd.s32 @!p0 $0x100000, s0  }
0xa5: {  	[sflag:s0] =	ssyncadd.tile.s32 @!p0 $0x1;
	_ =	shalt  }
.Lfunc_end2:
_tile_overlayer_lowered:
.L_overlay_start_2:
0xa6: {  	(tag) =	ssettag $0x2  }
0xa7: {  	s0 =	rddreg [dreg:$0x0];
	s2 =	stileid.u32  }
0xa8: {  	s1 =	rddreg [dreg:$0x1];
	p0 =	sne.s32 s2, $0x0  }
0xa9: {  	s3 =	rddreg [dreg:$0x2];
	[bflag:$0x3] =	sbarrier.arrive $0xFFFF;
	s2 =	simm.s32 @!p0 $0x1C09  }
0xaa: {  	[timem:s3], [sflag:s2] =	dma.local @!p0 [hbm:s0], s1  }
0xab: {  	s0 =	simm.s32 @!p0 $0x9  }
0xac: {  	_ =	swait.ge @!p0 [sflag:s0], s1  }
0xad: {  	s1 =	ssub.s32 @!p0 $0x0, s1;
	[sflag:s0] =	ssyncset.done @!p0 $0x0  }
0xae: {  	[sflag:s0] =	ssyncadd.s32 @!p0 s1  }
0xaf: {  	[bflag:$0x3] =	sbarrier.arrive $0xFFFF  }
0xb0: {  	_ =	shalt  }

</sc_bundles>
